<compile_context>
chip_gen: v7x
topology: tpu7x:2x2x1
jax: 0.10.2.dev20260603
libtpu: 0.0.44.dev20260713+nightly
codegen_flags: <defaults>
</compile_context>

<pallas_src>
import functools

import jax
import jax.numpy as jnp
from jax import lax
from jax.experimental import pallas as pl
from jax.experimental.pallas import tpu as pltpu
from jax.experimental.pallas import tpu_sc as plsc

SEQ_LEN = 200
DIM = 32
HALF = 16

NUM_CORES = 2
NUM_SUBCORES = 16
NUM_WORKERS = NUM_CORES * NUM_SUBCORES

BATCH = 4096
ROWS_PER_WORKER = BATCH // NUM_WORKERS

NBUF = 4
CHUNK_BROWS = 2
N_CHUNKS = ROWS_PER_WORKER // CHUNK_BROWS
N_ITERS = N_CHUNKS // NBUF
IDX_PER_DMA = 100
DMAS_PER_BROW = SEQ_LEN // IDX_PER_DMA
IDX_GROUPS = N_CHUNKS * CHUNK_BROWS * DMAS_PER_BROW

_mesh = plsc.VectorSubcoreMesh(core_axis_name="c", subcore_axis_name="s")


@functools.partial(
    pl.kernel,
    out_type=jax.ShapeDtypeStruct((BATCH, SEQ_LEN, DIM), jnp.float32),
    mesh=_mesh,
    scratch_types=[
        pltpu.VMEM((IDX_GROUPS, IDX_PER_DMA), jnp.int32),
        pltpu.VMEM((SEQ_LEN, DIM), jnp.float32),
        [pltpu.VMEM((CHUNK_BROWS, SEQ_LEN, DIM), jnp.float32) for _ in range(NBUF)],
        [pltpu.SemaphoreType.DMA for _ in range(NBUF)],
        [pltpu.SemaphoreType.DMA for _ in range(NBUF)],
    ],
    compiler_params=pltpu.CompilerParams(use_tc_tiling_on_sc=False),
)
def _emb_lookup(idx_hbm, pos_hbm, table_hbm, out_hbm, idx_v, pos_v, bufs, gsems, osems):
    wid = lax.axis_index("s") * NUM_CORES + lax.axis_index("c")
    base = wid * ROWS_PER_WORKER

    pltpu.sync_copy(idx_hbm.at[wid], idx_v)
    pltpu.sync_copy(pos_hbm, pos_v)

    def issue_gathers(c, b):
        lb = c * CHUNK_BROWS
        for s in range(CHUNK_BROWS):
            for g in range(DMAS_PER_BROW):
                pltpu.async_copy(
                    table_hbm.at[idx_v.at[(lb + s) * DMAS_PER_BROW + g]],
                    bufs[b].at[s, pl.ds(g * IDX_PER_DMA, IDX_PER_DMA)],
                    gsems[b],
                )

    def wait_gathers(c, b):
        lb = c * CHUNK_BROWS
        for s in range(CHUNK_BROWS):
            for g in range(DMAS_PER_BROW):
                pltpu.make_async_copy(
                    table_hbm.at[idx_v.at[(lb + s) * DMAS_PER_BROW + g]],
                    bufs[b].at[s, pl.ds(g * IDX_PER_DMA, IDX_PER_DMA)],
                    gsems[b],
                ).wait()

    def write_desc(c, b):
        return pltpu.make_async_copy(
            bufs[b],
            out_hbm.at[pl.ds(base + c * CHUNK_BROWS, CHUNK_BROWS)],
            osems[b],
        )

    def add_pos(b):
        def add_body(j, carry):
            pv0 = pos_v[j, pl.ds(0, HALF)]
            pv1 = pos_v[j, pl.ds(HALF, HALF)]
            for s in range(CHUNK_BROWS):
                plsc.addupdate(bufs[b].at[s, j, pl.ds(0, HALF)], pv0)
                plsc.addupdate(bufs[b].at[s, j, pl.ds(HALF, HALF)], pv1)
            return carry

        lax.fori_loop(0, SEQ_LEN, add_body, 0)

    issue_gathers(0, 0)
    issue_gathers(1, 1)

    def iter_body(i, carry):
        c0 = i * NBUF
        for b in range(NBUF):
            c = c0 + b
            wait_gathers(c, b)
            add_pos(b)
            write_desc(c, b).start()
            bp = (b + 2) % NBUF
            cp = c + 2

            def prefetch():
                write_desc(cp - NBUF, bp).wait()
                issue_gathers(cp, bp)

            def first_prefetch():
                issue_gathers(cp, bp)

            if b < 2:
                lax.cond(i > 0, prefetch, first_prefetch)
            else:
                def wait_only():
                    write_desc(cp - NBUF, bp).wait()

                lax.cond(i < N_ITERS - 1, prefetch, wait_only)
        return carry

    lax.fori_loop(0, N_ITERS, iter_body, 0)

    write_desc(N_CHUNKS - 2, 2).wait()
    write_desc(N_CHUNKS - 1, 3).wait()


def kernel(inputs, word_table, pos_table):
    idx = inputs.astype(jnp.int32).reshape(NUM_WORKERS, IDX_GROUPS, IDX_PER_DMA)
    eye = lax.optimization_barrier(jnp.eye(DIM, dtype=jnp.float32))
    mm = functools.partial(jnp.matmul, precision=lax.Precision.HIGHEST)
    out = _emb_lookup(idx, pos_table, mm(word_table, eye))
    return mm(out, eye)

# --- scband reference (transcript-rebuilt; emitter-appended) ---
"""Pipeline reference for scband-position-embedding-layer-35287451304325 (READ-ONLY COPY).

The authoritative reference and input builder live on the scoring server;
editing this copy changes nothing except your own understanding.
"""

import jax, jax.numpy as jnp
import numpy as np

VOCAB_SIZE = 1000000
SEQ_LENGTH = 200
OUTPUT_DIM = 32
BATCH = 4096


def setup_inputs(seed: int = 0) -> dict:
    key = jax.random.key(seed)
    k1, k2, k3 = jax.random.split(key, 3)
    inputs = jax.random.randint(k1, (BATCH, SEQ_LENGTH), 0, VOCAB_SIZE, dtype=jnp.int64 if jax.config.jax_enable_x64 else jnp.int32)
    word_table = jax.random.normal(k2, (VOCAB_SIZE, OUTPUT_DIM), dtype=jnp.float32) * 0.05
    pos_table = jax.random.normal(k3, (SEQ_LENGTH, OUTPUT_DIM), dtype=jnp.float32) * 0.05
    return {"inputs": inputs, "word_table": word_table, "pos_table": pos_table}


def reference(inputs, word_table, pos_table):
    # word embedding lookup: gather rows from the word table
    embedded_words = jnp.take(word_table, inputs, axis=0)  # [B, L, D]
    # position embedding for indices 0..L-1
    position_indices = jnp.arange(inputs.shape[-1])
    embedded_indices = jnp.take(pos_table, position_indices, axis=0)  # [L, D]
    return embedded_words + embedded_indices[None, :, :]

if __name__ == "__main__":
    import jax
    _d = setup_inputs()
    print(jax.jit(kernel)(*tuple(_d.values())))

</pallas_src>

<mosaic_0001>
#map = affine_map<(d0, d1) -> (0, 0, 0)>
#map1 = affine_map<(d0, d1) -> (0, 0)>
module attributes {stable_mosaic.version = 14 : i64} {
  func.func @_emb_lookup(%arg0: i32, %arg1: i32, %arg2: memref<32x256x100xi32, #tpu.memory_space<hbm>>, %arg3: memref<200x32xf32, #tpu.memory_space<hbm>>, %arg4: memref<1000000x32xf32, #tpu.memory_space<hbm>>, %arg5: memref<4096x200x32xf32, #tpu.memory_space<hbm>>, %arg6: memref<256x100xi32, #tpu.memory_space<vmem>>, %arg7: memref<200x32xf32, #tpu.memory_space<vmem>>, %arg8: memref<2x200x32xf32, #tpu.memory_space<vmem>>, %arg9: memref<2x200x32xf32, #tpu.memory_space<vmem>>, %arg10: memref<2x200x32xf32, #tpu.memory_space<vmem>>, %arg11: memref<2x200x32xf32, #tpu.memory_space<vmem>>, %arg12: memref<!tpu.dma_semaphore, #tpu.memory_space<semaphore_mem>>, %arg13: memref<!tpu.dma_semaphore, #tpu.memory_space<semaphore_mem>>, %arg14: memref<!tpu.dma_semaphore, #tpu.memory_space<semaphore_mem>>, %arg15: memref<!tpu.dma_semaphore, #tpu.memory_space<semaphore_mem>>, %arg16: memref<!tpu.dma_semaphore, #tpu.memory_space<semaphore_mem>>, %arg17: memref<!tpu.dma_semaphore, #tpu.memory_space<semaphore_mem>>, %arg18: memref<!tpu.dma_semaphore, #tpu.memory_space<semaphore_mem>>, %arg19: memref<!tpu.dma_semaphore, #tpu.memory_space<semaphore_mem>>) attributes {dimension_semantics = [#tpu.dimension_semantics<core_parallel>, #tpu.dimension_semantics<subcore_parallel>], iteration_bounds = array<i64: 2, 16>, scalar_prefetch = 0 : i64, scratch_operands = 14 : i64, tpu.core_type = #tpu.core_type<sc_vector_subcore>, window_params = [{transform_indices = #map}, {transform_indices = #map1}, {transform_indices = #map1}, {transform_indices = #map}]} {
    %mul3A = arith.constant 2 : i32
    %mul3A_0 = arith.muli %arg1, %mul3A : i32
    %add3A = arith.addi %mul3A_0, %arg0 : i32
    %mul3A_1 = arith.constant 128 : i32
    %mul3A_2 = arith.muli %add3A, %mul3A_1 : i32
    "tpu.region"() ({
      %run_scoped3A = tpu.sem_alloc : memref<!tpu.dma_semaphore, #tpu.memory_space<semaphore_mem>>
      %dma_start3A_118 = arith.constant 0 : i32
      %dma_start3A_119 = arith.constant 0 : i32
      %dma_start3A_120 = tpu.memref_slice %arg2[%add3A, %dma_start3A_118, %dma_start3A_119] : memref<32x256x100xi32, #tpu.memory_space<hbm>> -> memref<1x256x100xi32, #tpu.memory_space<hbm>>
      %dma_start3A_121 = tpu.memref_squeeze %dma_start3A_120 : memref<1x256x100xi32, #tpu.memory_space<hbm>> -> memref<256x100xi32, #tpu.memory_space<hbm>>
      %dma_start3A_122 = arith.constant 0 : i32
      %dma_start3A_123 = arith.constant 0 : i32
      %dma_start3A_124 = tpu.memref_slice %arg2[%add3A, %dma_start3A_122, %dma_start3A_123] : memref<32x256x100xi32, #tpu.memory_space<hbm>> -> memref<1x256x100xi32, #tpu.memory_space<hbm>>
      %dma_start3A_125 = tpu.memref_squeeze %dma_start3A_124 : memref<1x256x100xi32, #tpu.memory_space<hbm>> -> memref<256x100xi32, #tpu.memory_space<hbm>>
      tpu.enqueue_dma source(%dma_start3A_125 : memref<256x100xi32, #tpu.memory_space<hbm>>) target(%arg6 : memref<256x100xi32, #tpu.memory_space<vmem>>) target_semaphore(%run_scoped3A : memref<!tpu.dma_semaphore, #tpu.memory_space<semaphore_mem>>)
      %dma_wait3A_126 = arith.constant 0 : i32
      %dma_wait3A_127 = arith.constant 0 : i32
      %dma_wait3A_128 = tpu.memref_slice %arg2[%add3A, %dma_wait3A_126, %dma_wait3A_127] : memref<32x256x100xi32, #tpu.memory_space<hbm>> -> memref<1x256x100xi32, #tpu.memory_space<hbm>>
      %dma_wait3A_129 = tpu.memref_squeeze %dma_wait3A_128 : memref<1x256x100xi32, #tpu.memory_space<hbm>> -> memref<256x100xi32, #tpu.memory_space<hbm>>
      %dma_wait3A_130 = arith.constant 0 : i32
      %dma_wait3A_131 = arith.constant 0 : i32
      %dma_wait3A_132 = tpu.memref_slice %arg2[%add3A, %dma_wait3A_130, %dma_wait3A_131] : memref<32x256x100xi32, #tpu.memory_space<hbm>> -> memref<1x256x100xi32, #tpu.memory_space<hbm>>
      %dma_wait3A_133 = tpu.memref_squeeze %dma_wait3A_132 : memref<1x256x100xi32, #tpu.memory_space<hbm>> -> memref<256x100xi32, #tpu.memory_space<hbm>>
      tpu.wait_dma2 semaphore(%run_scoped3A : memref<!tpu.dma_semaphore, #tpu.memory_space<semaphore_mem>>) src(%dma_wait3A_133 : memref<256x100xi32, #tpu.memory_space<hbm>>) dst(%arg6 : memref<256x100xi32, #tpu.memory_space<vmem>>)
      tpu.yield
    }) : () -> ()
    "tpu.region"() ({
      %run_scoped3A = tpu.sem_alloc : memref<!tpu.dma_semaphore, #tpu.memory_space<semaphore_mem>>
      tpu.enqueue_dma source(%arg3 : memref<200x32xf32, #tpu.memory_space<hbm>>) target(%arg7 : memref<200x32xf32, #tpu.memory_space<vmem>>) target_semaphore(%run_scoped3A : memref<!tpu.dma_semaphore, #tpu.memory_space<semaphore_mem>>)
      tpu.wait_dma2 semaphore(%run_scoped3A : memref<!tpu.dma_semaphore, #tpu.memory_space<semaphore_mem>>) src(%arg3 : memref<200x32xf32, #tpu.memory_space<hbm>>) dst(%arg7 : memref<200x32xf32, #tpu.memory_space<vmem>>)
      tpu.yield
    }) : () -> ()
    %dma_start3A = arith.constant 0 : i32
    %dma_start3A_3 = arith.constant 0 : i32
    %dma_start3A_4 = arith.constant 0 : i32
    %dma_start3A_5 = arith.constant 0 : i32
    %dma_start3A_6 = tpu.memref_slice %arg8[%dma_start3A_3, %dma_start3A_4, %dma_start3A_5] : memref<2x200x32xf32, #tpu.memory_space<vmem>> -> memref<1x100x32xf32, #tpu.memory_space<vmem>>
    %dma_start3A_7 = tpu.memref_squeeze %dma_start3A_6 : memref<1x100x32xf32, #tpu.memory_space<vmem>> -> memref<100x32xf32, #tpu.memory_space<vmem>>
    %dma_start3A_8 = arith.constant 0 : i32
    %dma_start3A_9 = tpu.memref_slice %arg6[%dma_start3A, %dma_start3A_8] : memref<256x100xi32, #tpu.memory_space<vmem>> -> memref<1x100xi32, #tpu.memory_space<vmem>>
    %dma_start3A_10 = tpu.memref_squeeze %dma_start3A_9 : memref<1x100xi32, #tpu.memory_space<vmem>> -> memref<100xi32, #tpu.memory_space<vmem>>
    %dma_start3A_11 = arith.constant 0 : i32
    %dma_start3A_12 = arith.constant 0 : i32
    %dma_start3A_13 = tpu.memref_slice %arg4[%dma_start3A_11, %dma_start3A_12] : memref<1000000x32xf32, #tpu.memory_space<hbm>> -> memref<1000000x32xf32, #tpu.memory_space<hbm>>
    tpu.enqueue_indirect_dma source(%dma_start3A_13 : memref<1000000x32xf32, #tpu.memory_space<hbm>>) target(%dma_start3A_7 : memref<100x32xf32, #tpu.memory_space<vmem>>) offsets(%dma_start3A_10 : memref<100xi32, #tpu.memory_space<vmem>>) semaphore(%arg12 : memref<!tpu.dma_semaphore, #tpu.memory_space<semaphore_mem>>)
    %dma_start3A_14 = arith.constant 1 : i32
    %dma_start3A_15 = arith.constant 0 : i32
    %dma_start3A_16 = arith.constant 100 : i32
    %dma_start3A_17 = arith.constant 0 : i32
    %dma_start3A_18 = tpu.memref_slice %arg8[%dma_start3A_15, %dma_start3A_16, %dma_start3A_17] : memref<2x200x32xf32, #tpu.memory_space<vmem>> -> memref<1x100x32xf32, #tpu.memory_space<vmem>>
    %dma_start3A_19 = tpu.memref_squeeze %dma_start3A_18 : memref<1x100x32xf32, #tpu.memory_space<vmem>> -> memref<100x32xf32, #tpu.memory_space<vmem>>
    %dma_start3A_20 = arith.constant 0 : i32
    %dma_start3A_21 = tpu.memref_slice %arg6[%dma_start3A_14, %dma_start3A_20] : memref<256x100xi32, #tpu.memory_space<vmem>> -> memref<1x100xi32, #tpu.memory_space<vmem>>
    %dma_start3A_22 = tpu.memref_squeeze %dma_start3A_21 : memref<1x100xi32, #tpu.memory_space<vmem>> -> memref<100xi32, #tpu.memory_space<vmem>>
    %dma_start3A_23 = arith.constant 0 : i32
    %dma_start3A_24 = arith.constant 0 : i32
    %dma_start3A_25 = tpu.memref_slice %arg4[%dma_start3A_23, %dma_start3A_24] : memref<1000000x32xf32, #tpu.memory_space<hbm>> -> memref<1000000x32xf32, #tpu.memory_space<hbm>>
    tpu.enqueue_indirect_dma source(%dma_start3A_25 : memref<1000000x32xf32, #tpu.memory_space<hbm>>) target(%dma_start3A_19 : memref<100x32xf32, #tpu.memory_space<vmem>>) offsets(%dma_start3A_22 : memref<100xi32, #tpu.memory_space<vmem>>) semaphore(%arg12 : memref<!tpu.dma_semaphore, #tpu.memory_space<semaphore_mem>>)
    %dma_start3A_26 = arith.constant 2 : i32
    %dma_start3A_27 = arith.constant 1 : i32
    %dma_start3A_28 = arith.constant 0 : i32
    %dma_start3A_29 = arith.constant 0 : i32
    %dma_start3A_30 = tpu.memref_slice %arg8[%dma_start3A_27, %dma_start3A_28, %dma_start3A_29] : memref<2x200x32xf32, #tpu.memory_space<vmem>> -> memref<1x100x32xf32, #tpu.memory_space<vmem>>
    %dma_start3A_31 = tpu.memref_squeeze %dma_start3A_30 : memref<1x100x32xf32, #tpu.memory_space<vmem>> -> memref<100x32xf32, #tpu.memory_space<vmem>>
    %dma_start3A_32 = arith.constant 0 : i32
    %dma_start3A_33 = tpu.memref_slice %arg6[%dma_start3A_26, %dma_start3A_32] : memref<256x100xi32, #tpu.memory_space<vmem>> -> memref<1x100xi32, #tpu.memory_space<vmem>>
    %dma_start3A_34 = tpu.memref_squeeze %dma_start3A_33 : memref<1x100xi32, #tpu.memory_space<vmem>> -> memref<100xi32, #tpu.memory_space<vmem>>
    %dma_start3A_35 = arith.constant 0 : i32
    %dma_start3A_36 = arith.constant 0 : i32
    %dma_start3A_37 = tpu.memref_slice %arg4[%dma_start3A_35, %dma_start3A_36] : memref<1000000x32xf32, #tpu.memory_space<hbm>> -> memref<1000000x32xf32, #tpu.memory_space<hbm>>
    tpu.enqueue_indirect_dma source(%dma_start3A_37 : memref<1000000x32xf32, #tpu.memory_space<hbm>>) target(%dma_start3A_31 : memref<100x32xf32, #tpu.memory_space<vmem>>) offsets(%dma_start3A_34 : memref<100xi32, #tpu.memory_space<vmem>>) semaphore(%arg12 : memref<!tpu.dma_semaphore, #tpu.memory_space<semaphore_mem>>)
    %dma_start3A_38 = arith.constant 3 : i32
    %dma_start3A_39 = arith.constant 1 : i32
    %dma_start3A_40 = arith.constant 100 : i32
    %dma_start3A_41 = arith.constant 0 : i32
    %dma_start3A_42 = tpu.memref_slice %arg8[%dma_start3A_39, %dma_start3A_40, %dma_start3A_41] : memref<2x200x32xf32, #tpu.memory_space<vmem>> -> memref<1x100x32xf32, #tpu.memory_space<vmem>>
    %dma_start3A_43 = tpu.memref_squeeze %dma_start3A_42 : memref<1x100x32xf32, #tpu.memory_space<vmem>> -> memref<100x32xf32, #tpu.memory_space<vmem>>
    %dma_start3A_44 = arith.constant 0 : i32
    %dma_start3A_45 = tpu.memref_slice %arg6[%dma_start3A_38, %dma_start3A_44] : memref<256x100xi32, #tpu.memory_space<vmem>> -> memref<1x100xi32, #tpu.memory_space<vmem>>
    %dma_start3A_46 = tpu.memref_squeeze %dma_start3A_45 : memref<1x100xi32, #tpu.memory_space<vmem>> -> memref<100xi32, #tpu.memory_space<vmem>>
    %dma_start3A_47 = arith.constant 0 : i32
    %dma_start3A_48 = arith.constant 0 : i32
    %dma_start3A_49 = tpu.memref_slice %arg4[%dma_start3A_47, %dma_start3A_48] : memref<1000000x32xf32, #tpu.memory_space<hbm>> -> memref<1000000x32xf32, #tpu.memory_space<hbm>>
    tpu.enqueue_indirect_dma source(%dma_start3A_49 : memref<1000000x32xf32, #tpu.memory_space<hbm>>) target(%dma_start3A_43 : memref<100x32xf32, #tpu.memory_space<vmem>>) offsets(%dma_start3A_46 : memref<100xi32, #tpu.memory_space<vmem>>) semaphore(%arg12 : memref<!tpu.dma_semaphore, #tpu.memory_space<semaphore_mem>>)
    %dma_start3A_50 = arith.constant 4 : i32
    %dma_start3A_51 = arith.constant 0 : i32
    %dma_start3A_52 = arith.constant 0 : i32
    %dma_start3A_53 = arith.constant 0 : i32
    %dma_start3A_54 = tpu.memref_slice %arg9[%dma_start3A_51, %dma_start3A_52, %dma_start3A_53] : memref<2x200x32xf32, #tpu.memory_space<vmem>> -> memref<1x100x32xf32, #tpu.memory_space<vmem>>
    %dma_start3A_55 = tpu.memref_squeeze %dma_start3A_54 : memref<1x100x32xf32, #tpu.memory_space<vmem>> -> memref<100x32xf32, #tpu.memory_space<vmem>>
    %dma_start3A_56 = arith.constant 0 : i32
    %dma_start3A_57 = tpu.memref_slice %arg6[%dma_start3A_50, %dma_start3A_56] : memref<256x100xi32, #tpu.memory_space<vmem>> -> memref<1x100xi32, #tpu.memory_space<vmem>>
    %dma_start3A_58 = tpu.memref_squeeze %dma_start3A_57 : memref<1x100xi32, #tpu.memory_space<vmem>> -> memref<100xi32, #tpu.memory_space<vmem>>
    %dma_start3A_59 = arith.constant 0 : i32
    %dma_start3A_60 = arith.constant 0 : i32
    %dma_start3A_61 = tpu.memref_slice %arg4[%dma_start3A_59, %dma_start3A_60] : memref<1000000x32xf32, #tpu.memory_space<hbm>> -> memref<1000000x32xf32, #tpu.memory_space<hbm>>
    tpu.enqueue_indirect_dma source(%dma_start3A_61 : memref<1000000x32xf32, #tpu.memory_space<hbm>>) target(%dma_start3A_55 : memref<100x32xf32, #tpu.memory_space<vmem>>) offsets(%dma_start3A_58 : memref<100xi32, #tpu.memory_space<vmem>>) semaphore(%arg13 : memref<!tpu.dma_semaphore, #tpu.memory_space<semaphore_mem>>)
    %dma_start3A_62 = arith.constant 5 : i32
    %dma_start3A_63 = arith.constant 0 : i32
    %dma_start3A_64 = arith.constant 100 : i32
    %dma_start3A_65 = arith.constant 0 : i32
    %dma_start3A_66 = tpu.memref_slice %arg9[%dma_start3A_63, %dma_start3A_64, %dma_start3A_65] : memref<2x200x32xf32, #tpu.memory_space<vmem>> -> memref<1x100x32xf32, #tpu.memory_space<vmem>>
    %dma_start3A_67 = tpu.memref_squeeze %dma_start3A_66 : memref<1x100x32xf32, #tpu.memory_space<vmem>> -> memref<100x32xf32, #tpu.memory_space<vmem>>
    %dma_start3A_68 = arith.constant 0 : i32
    %dma_start3A_69 = tpu.memref_slice %arg6[%dma_start3A_62, %dma_start3A_68] : memref<256x100xi32, #tpu.memory_space<vmem>> -> memref<1x100xi32, #tpu.memory_space<vmem>>
    %dma_start3A_70 = tpu.memref_squeeze %dma_start3A_69 : memref<1x100xi32, #tpu.memory_space<vmem>> -> memref<100xi32, #tpu.memory_space<vmem>>
    %dma_start3A_71 = arith.constant 0 : i32
    %dma_start3A_72 = arith.constant 0 : i32
    %dma_start3A_73 = tpu.memref_slice %arg4[%dma_start3A_71, %dma_start3A_72] : memref<1000000x32xf32, #tpu.memory_space<hbm>> -> memref<1000000x32xf32, #tpu.memory_space<hbm>>
    tpu.enqueue_indirect_dma source(%dma_start3A_73 : memref<1000000x32xf32, #tpu.memory_space<hbm>>) target(%dma_start3A_67 : memref<100x32xf32, #tpu.memory_space<vmem>>) offsets(%dma_start3A_70 : memref<100xi32, #tpu.memory_space<vmem>>) semaphore(%arg13 : memref<!tpu.dma_semaphore, #tpu.memory_space<semaphore_mem>>)
    %dma_start3A_74 = arith.constant 6 : i32
    %dma_start3A_75 = arith.constant 1 : i32
    %dma_start3A_76 = arith.constant 0 : i32
    %dma_start3A_77 = arith.constant 0 : i32
    %dma_start3A_78 = tpu.memref_slice %arg9[%dma_start3A_75, %dma_start3A_76, %dma_start3A_77] : memref<2x200x32xf32, #tpu.memory_space<vmem>> -> memref<1x100x32xf32, #tpu.memory_space<vmem>>
    %dma_start3A_79 = tpu.memref_squeeze %dma_start3A_78 : memref<1x100x32xf32, #tpu.memory_space<vmem>> -> memref<100x32xf32, #tpu.memory_space<vmem>>
    %dma_start3A_80 = arith.constant 0 : i32
    %dma_start3A_81 = tpu.memref_slice %arg6[%dma_start3A_74, %dma_start3A_80] : memref<256x100xi32, #tpu.memory_space<vmem>> -> memref<1x100xi32, #tpu.memory_space<vmem>>
    %dma_start3A_82 = tpu.memref_squeeze %dma_start3A_81 : memref<1x100xi32, #tpu.memory_space<vmem>> -> memref<100xi32, #tpu.memory_space<vmem>>
    %dma_start3A_83 = arith.constant 0 : i32
    %dma_start3A_84 = arith.constant 0 : i32
    %dma_start3A_85 = tpu.memref_slice %arg4[%dma_start3A_83, %dma_start3A_84] : memref<1000000x32xf32, #tpu.memory_space<hbm>> -> memref<1000000x32xf32, #tpu.memory_space<hbm>>
    tpu.enqueue_indirect_dma source(%dma_start3A_85 : memref<1000000x32xf32, #tpu.memory_space<hbm>>) target(%dma_start3A_79 : memref<100x32xf32, #tpu.memory_space<vmem>>) offsets(%dma_start3A_82 : memref<100xi32, #tpu.memory_space<vmem>>) semaphore(%arg13 : memref<!tpu.dma_semaphore, #tpu.memory_space<semaphore_mem>>)
    %dma_start3A_86 = arith.constant 7 : i32
    %dma_start3A_87 = arith.constant 1 : i32
    %dma_start3A_88 = arith.constant 100 : i32
    %dma_start3A_89 = arith.constant 0 : i32
    %dma_start3A_90 = tpu.memref_slice %arg9[%dma_start3A_87, %dma_start3A_88, %dma_start3A_89] : memref<2x200x32xf32, #tpu.memory_space<vmem>> -> memref<1x100x32xf32, #tpu.memory_space<vmem>>
    %dma_start3A_91 = tpu.memref_squeeze %dma_start3A_90 : memref<1x100x32xf32, #tpu.memory_space<vmem>> -> memref<100x32xf32, #tpu.memory_space<vmem>>
    %dma_start3A_92 = arith.constant 0 : i32
    %dma_start3A_93 = tpu.memref_slice %arg6[%dma_start3A_86, %dma_start3A_92] : memref<256x100xi32, #tpu.memory_space<vmem>> -> memref<1x100xi32, #tpu.memory_space<vmem>>
    %dma_start3A_94 = tpu.memref_squeeze %dma_start3A_93 : memref<1x100xi32, #tpu.memory_space<vmem>> -> memref<100xi32, #tpu.memory_space<vmem>>
    %dma_start3A_95 = arith.constant 0 : i32
    %dma_start3A_96 = arith.constant 0 : i32
    %dma_start3A_97 = tpu.memref_slice %arg4[%dma_start3A_95, %dma_start3A_96] : memref<1000000x32xf32, #tpu.memory_space<hbm>> -> memref<1000000x32xf32, #tpu.memory_space<hbm>>
    tpu.enqueue_indirect_dma source(%dma_start3A_97 : memref<1000000x32xf32, #tpu.memory_space<hbm>>) target(%dma_start3A_91 : memref<100x32xf32, #tpu.memory_space<vmem>>) offsets(%dma_start3A_94 : memref<100xi32, #tpu.memory_space<vmem>>) semaphore(%arg13 : memref<!tpu.dma_semaphore, #tpu.memory_space<semaphore_mem>>)
    %scan3A = arith.constant 0 : i32
    %scan3A_98 = arith.constant 0 : i32
    %scan3A_99 = arith.constant 16 : i32
    %scan3A_100 = arith.addi %scan3A_98, %scan3A_99 : i32
    %scan3A_101 = arith.constant 1 : i32
    scf.for %scan3A_118 = %scan3A_98 to %scan3A_100 step %scan3A_101  : i32 {
      %mul3A_119 = arith.constant 4 : i32
      %mul3A_120 = arith.muli %scan3A_118, %mul3A_119 : i32
      %add3A_121 = arith.constant 0 : i32
      %add3A_122 = arith.addi %mul3A_120, %add3A_121 : i32
      %mul3A_123 = arith.constant 2 : i32
      %mul3A_124 = arith.muli %add3A_122, %mul3A_123 : i32
      %add3A_125 = arith.constant 0 : i32
      %add3A_126 = arith.addi %mul3A_124, %add3A_125 : i32
      %mul3A_127 = arith.constant 2 : i32
      %mul3A_128 = arith.muli %add3A_126, %mul3A_127 : i32
      %add3A_129 = arith.constant 0 : i32
      %add3A_130 = arith.addi %mul3A_128, %add3A_129 : i32
      %dma_wait3A_131 = arith.constant 0 : i32
      %dma_wait3A_132 = arith.constant 0 : i32
      %dma_wait3A_133 = arith.constant 0 : i32
      %dma_wait3A_134 = tpu.memref_slice %arg8[%dma_wait3A_131, %dma_wait3A_132, %dma_wait3A_133] : memref<2x200x32xf32, #tpu.memory_space<vmem>> -> memref<1x100x32xf32, #tpu.memory_space<vmem>>
      %dma_wait3A_135 = tpu.memref_squeeze %dma_wait3A_134 : memref<1x100x32xf32, #tpu.memory_space<vmem>> -> memref<100x32xf32, #tpu.memory_space<vmem>>
      %dma_wait3A_136 = arith.constant 0 : i32
      %dma_wait3A_137 = tpu.memref_slice %arg6[%add3A_130, %dma_wait3A_136] : memref<256x100xi32, #tpu.memory_space<vmem>> -> memref<1x100xi32, #tpu.memory_space<vmem>>
      %dma_wait3A_138 = tpu.memref_squeeze %dma_wait3A_137 : memref<1x100xi32, #tpu.memory_space<vmem>> -> memref<100xi32, #tpu.memory_space<vmem>>
      %dma_wait3A_139 = arith.constant 0 : i32
      %dma_wait3A_140 = arith.constant 0 : i32
      %dma_wait3A_141 = tpu.memref_slice %arg4[%dma_wait3A_139, %dma_wait3A_140] : memref<1000000x32xf32, #tpu.memory_space<hbm>> -> memref<1000000x32xf32, #tpu.memory_space<hbm>>
      tpu.wait_indirect_dma semaphore(%arg12 : memref<!tpu.dma_semaphore, #tpu.memory_space<semaphore_mem>>) src(%dma_wait3A_141 : memref<1000000x32xf32, #tpu.memory_space<hbm>>) dst(%dma_wait3A_135 : memref<100x32xf32, #tpu.memory_space<vmem>>)
      %add3A_142 = arith.constant 0 : i32
      %add3A_143 = arith.addi %mul3A_124, %add3A_142 : i32
      %mul3A_144 = arith.constant 2 : i32
      %mul3A_145 = arith.muli %add3A_143, %mul3A_144 : i32
      %add3A_146 = arith.constant 1 : i32
      %add3A_147 = arith.addi %mul3A_145, %add3A_146 : i32
      %dma_wait3A_148 = arith.constant 0 : i32
      %dma_wait3A_149 = arith.constant 100 : i32
      %dma_wait3A_150 = arith.constant 0 : i32
      %dma_wait3A_151 = tpu.memref_slice %arg8[%dma_wait3A_148, %dma_wait3A_149, %dma_wait3A_150] : memref<2x200x32xf32, #tpu.memory_space<vmem>> -> memref<1x100x32xf32, #tpu.memory_space<vmem>>
      %dma_wait3A_152 = tpu.memref_squeeze %dma_wait3A_151 : memref<1x100x32xf32, #tpu.memory_space<vmem>> -> memref<100x32xf32, #tpu.memory_space<vmem>>
      %dma_wait3A_153 = arith.constant 0 : i32
      %dma_wait3A_154 = tpu.memref_slice %arg6[%add3A_147, %dma_wait3A_153] : memref<256x100xi32, #tpu.memory_space<vmem>> -> memref<1x100xi32, #tpu.memory_space<vmem>>
      %dma_wait3A_155 = tpu.memref_squeeze %dma_wait3A_154 : memref<1x100xi32, #tpu.memory_space<vmem>> -> memref<100xi32, #tpu.memory_space<vmem>>
      %dma_wait3A_156 = arith.constant 0 : i32
      %dma_wait3A_157 = arith.constant 0 : i32
      %dma_wait3A_158 = tpu.memref_slice %arg4[%dma_wait3A_156, %dma_wait3A_157] : memref<1000000x32xf32, #tpu.memory_space<hbm>> -> memref<1000000x32xf32, #tpu.memory_space<hbm>>
      tpu.wait_indirect_dma semaphore(%arg12 : memref<!tpu.dma_semaphore, #tpu.memory_space<semaphore_mem>>) src(%dma_wait3A_158 : memref<1000000x32xf32, #tpu.memory_space<hbm>>) dst(%dma_wait3A_152 : memref<100x32xf32, #tpu.memory_space<vmem>>)
      %add3A_159 = arith.constant 1 : i32
      %add3A_160 = arith.addi %mul3A_124, %add3A_159 : i32
      %mul3A_161 = arith.constant 2 : i32
      %mul3A_162 = arith.muli %add3A_160, %mul3A_161 : i32
      %add3A_163 = arith.constant 0 : i32
      %add3A_164 = arith.addi %mul3A_162, %add3A_163 : i32
      %dma_wait3A_165 = arith.constant 1 : i32
      %dma_wait3A_166 = arith.constant 0 : i32
      %dma_wait3A_167 = arith.constant 0 : i32
      %dma_wait3A_168 = tpu.memref_slice %arg8[%dma_wait3A_165, %dma_wait3A_166, %dma_wait3A_167] : memref<2x200x32xf32, #tpu.memory_space<vmem>> -> memref<1x100x32xf32, #tpu.memory_space<vmem>>
      %dma_wait3A_169 = tpu.memref_squeeze %dma_wait3A_168 : memref<1x100x32xf32, #tpu.memory_space<vmem>> -> memref<100x32xf32, #tpu.memory_space<vmem>>
      %dma_wait3A_170 = arith.constant 0 : i32
      %dma_wait3A_171 = tpu.memref_slice %arg6[%add3A_164, %dma_wait3A_170] : memref<256x100xi32, #tpu.memory_space<vmem>> -> memref<1x100xi32, #tpu.memory_space<vmem>>
      %dma_wait3A_172 = tpu.memref_squeeze %dma_wait3A_171 : memref<1x100xi32, #tpu.memory_space<vmem>> -> memref<100xi32, #tpu.memory_space<vmem>>
      %dma_wait3A_173 = arith.constant 0 : i32
      %dma_wait3A_174 = arith.constant 0 : i32
      %dma_wait3A_175 = tpu.memref_slice %arg4[%dma_wait3A_173, %dma_wait3A_174] : memref<1000000x32xf32, #tpu.memory_space<hbm>> -> memref<1000000x32xf32, #tpu.memory_space<hbm>>
      tpu.wait_indirect_dma semaphore(%arg12 : memref<!tpu.dma_semaphore, #tpu.memory_space<semaphore_mem>>) src(%dma_wait3A_175 : memref<1000000x32xf32, #tpu.memory_space<hbm>>) dst(%dma_wait3A_169 : memref<100x32xf32, #tpu.memory_space<vmem>>)
      %add3A_176 = arith.constant 1 : i32
      %add3A_177 = arith.addi %mul3A_124, %add3A_176 : i32
      %mul3A_178 = arith.constant 2 : i32
      %mul3A_179 = arith.muli %add3A_177, %mul3A_178 : i32
      %add3A_180 = arith.constant 1 : i32
      %add3A_181 = arith.addi %mul3A_179, %add3A_180 : i32
      %dma_wait3A_182 = arith.constant 1 : i32
      %dma_wait3A_183 = arith.constant 100 : i32
      %dma_wait3A_184 = arith.constant 0 : i32
      %dma_wait3A_185 = tpu.memref_slice %arg8[%dma_wait3A_182, %dma_wait3A_183, %dma_wait3A_184] : memref<2x200x32xf32, #tpu.memory_space<vmem>> -> memref<1x100x32xf32, #tpu.memory_space<vmem>>
      %dma_wait3A_186 = tpu.memref_squeeze %dma_wait3A_185 : memref<1x100x32xf32, #tpu.memory_space<vmem>> -> memref<100x32xf32, #tpu.memory_space<vmem>>
      %dma_wait3A_187 = arith.constant 0 : i32
      %dma_wait3A_188 = tpu.memref_slice %arg6[%add3A_181, %dma_wait3A_187] : memref<256x100xi32, #tpu.memory_space<vmem>> -> memref<1x100xi32, #tpu.memory_space<vmem>>
      %dma_wait3A_189 = tpu.memref_squeeze %dma_wait3A_188 : memref<1x100xi32, #tpu.memory_space<vmem>> -> memref<100xi32, #tpu.memory_space<vmem>>
      %dma_wait3A_190 = arith.constant 0 : i32
      %dma_wait3A_191 = arith.constant 0 : i32
      %dma_wait3A_192 = tpu.memref_slice %arg4[%dma_wait3A_190, %dma_wait3A_191] : memref<1000000x32xf32, #tpu.memory_space<hbm>> -> memref<1000000x32xf32, #tpu.memory_space<hbm>>
      tpu.wait_indirect_dma semaphore(%arg12 : memref<!tpu.dma_semaphore, #tpu.memory_space<semaphore_mem>>) src(%dma_wait3A_192 : memref<1000000x32xf32, #tpu.memory_space<hbm>>) dst(%dma_wait3A_186 : memref<100x32xf32, #tpu.memory_space<vmem>>)
      %scan3A_193 = arith.constant 0 : i32
      %scan3A_194 = arith.constant 0 : i32
      %scan3A_195 = arith.constant 200 : i32
      %scan3A_196 = arith.addi %scan3A_194, %scan3A_195 : i32
      %scan3A_197 = arith.constant 1 : i32
      scf.for %scan3A_493 = %scan3A_194 to %scan3A_196 step %scan3A_197  : i32 {
        %get3A = arith.index_cast %scan3A_493 : i32 to index
        %get3A_494 = arith.constant 0 : index
        %get3A_495 = tpu.vector_load %arg7[%get3A, %get3A_494] {strides = array<i32>} : memref<200x32xf32, #tpu.memory_space<vmem>>, vector<1x16xf32>,
        %get3A_496 = vector.shape_cast %get3A_495 : vector<1x16xf32> to vector<16xf32>
        %get3A_497 = arith.index_cast %scan3A_493 : i32 to index
        %get3A_498 = arith.constant 16 : index
        %get3A_499 = tpu.vector_load %arg7[%get3A_497, %get3A_498] {strides = array<i32>} : memref<200x32xf32, #tpu.memory_space<vmem>>, vector<1x16xf32>,
        %get3A_500 = vector.shape_cast %get3A_499 : vector<1x16xf32> to vector<16xf32>
        %swap3A = arith.constant 0 : i32
        %swap3A_501 = arith.index_cast %swap3A : i32 to index
        %swap3A_502 = arith.index_cast %scan3A_493 : i32 to index
        %swap3A_503 = arith.constant 0 : index
        %swap3A_504 = tpu.vector_load %arg8[%swap3A_501, %swap3A_502, %swap3A_503] {strides = array<i32>} : memref<2x200x32xf32, #tpu.memory_space<vmem>>, vector<1x1x16xf32>,
        %swap3A_505 = vector.shape_cast %swap3A_504 : vector<1x1x16xf32> to vector<16xf32>
        %swap3A_506 = vector.shape_cast %get3A_496 : vector<16xf32> to vector<1x1x16xf32>
        tpu.vector_store %arg8[%swap3A_501, %swap3A_502, %swap3A_503], %swap3A_506 {add = true, strides = array<i32>} : memref<2x200x32xf32, #tpu.memory_space<vmem>>, vector<1x1x16xf32>,
        %swap3A_507 = arith.constant 0 : i32
        %swap3A_508 = arith.index_cast %swap3A_507 : i32 to index
        %swap3A_509 = arith.index_cast %scan3A_493 : i32 to index
        %swap3A_510 = arith.constant 16 : index
        %swap3A_511 = tpu.vector_load %arg8[%swap3A_508, %swap3A_509, %swap3A_510] {strides = array<i32>} : memref<2x200x32xf32, #tpu.memory_space<vmem>>, vector<1x1x16xf32>,
        %swap3A_512 = vector.shape_cast %swap3A_511 : vector<1x1x16xf32> to vector<16xf32>
        %swap3A_513 = vector.shape_cast %get3A_500 : vector<16xf32> to vector<1x1x16xf32>
        tpu.vector_store %arg8[%swap3A_508, %swap3A_509, %swap3A_510], %swap3A_513 {add = true, strides = array<i32>} : memref<2x200x32xf32, #tpu.memory_space<vmem>>, vector<1x1x16xf32>,
        %swap3A_514 = arith.constant 1 : i32
        %swap3A_515 = arith.index_cast %swap3A_514 : i32 to index
        %swap3A_516 = arith.index_cast %scan3A_493 : i32 to index
        %swap3A_517 = arith.constant 0 : index
        %swap3A_518 = tpu.vector_load %arg8[%swap3A_515, %swap3A_516, %swap3A_517] {strides = array<i32>} : memref<2x200x32xf32, #tpu.memory_space<vmem>>, vector<1x1x16xf32>,
        %swap3A_519 = vector.shape_cast %swap3A_518 : vector<1x1x16xf32> to vector<16xf32>
        %swap3A_520 = vector.shape_cast %get3A_496 : vector<16xf32> to vector<1x1x16xf32>
        tpu.vector_store %arg8[%swap3A_515, %swap3A_516, %swap3A_517], %swap3A_520 {add = true, strides = array<i32>} : memref<2x200x32xf32, #tpu.memory_space<vmem>>, vector<1x1x16xf32>,
        %swap3A_521 = arith.constant 1 : i32
        %swap3A_522 = arith.index_cast %swap3A_521 : i32 to index
        %swap3A_523 = arith.index_cast %scan3A_493 : i32 to index
        %swap3A_524 = arith.constant 16 : index
        %swap3A_525 = tpu.vector_load %arg8[%swap3A_522, %swap3A_523, %swap3A_524] {strides = array<i32>} : memref<2x200x32xf32, #tpu.memory_space<vmem>>, vector<1x1x16xf32>,
        %swap3A_526 = vector.shape_cast %swap3A_525 : vector<1x1x16xf32> to vector<16xf32>
        %swap3A_527 = vector.shape_cast %get3A_500 : vector<16xf32> to vector<1x1x16xf32>
        tpu.vector_store %arg8[%swap3A_522, %swap3A_523, %swap3A_524], %swap3A_527 {add = true, strides = array<i32>} : memref<2x200x32xf32, #tpu.memory_space<vmem>>, vector<1x1x16xf32>,
      }
      %scan3A_198 = arith.constant 200 : i32
      %mul3A_199 = arith.constant 2 : i32
      %mul3A_200 = arith.muli %add3A_122, %mul3A_199 : i32
      %add3A_201 = arith.addi %mul3A_2, %mul3A_200 : i32
      %dma_start3A_202 = arith.constant 0 : i32
      %dma_start3A_203 = arith.constant 0 : i32
      %dma_start3A_204 = tpu.memref_slice %arg5[%add3A_201, %dma_start3A_202, %dma_start3A_203] : memref<4096x200x32xf32, #tpu.memory_space<hbm>> -> memref<2x200x32xf32, #tpu.memory_space<hbm>>
      %dma_start3A_205 = arith.constant 0 : i32
      %dma_start3A_206 = arith.constant 0 : i32
      %dma_start3A_207 = tpu.memref_slice %arg5[%add3A_201, %dma_start3A_205, %dma_start3A_206] : memref<4096x200x32xf32, #tpu.memory_space<hbm>> -> memref<2x200x32xf32, #tpu.memory_space<hbm>>
      tpu.enqueue_dma source(%arg8 : memref<2x200x32xf32, #tpu.memory_space<vmem>>) target(%dma_start3A_207 : memref<2x200x32xf32, #tpu.memory_space<hbm>>) target_semaphore(%arg16 : memref<!tpu.dma_semaphore, #tpu.memory_space<semaphore_mem>>)
      %add3A_208 = arith.constant 2 : i32
      %add3A_209 = arith.addi %add3A_122, %add3A_208 : i32
      %gt3A = arith.constant 0 : i32
      %gt3A_210 = arith.cmpi sgt, %scan3A_118, %gt3A : i32
      %convert_element_type3A = arith.extui %gt3A_210 : i1 to i32
      %cond3A = arith.constant 0 : i32
      %cond3A_211 = arith.cmpi ne, %convert_element_type3A, %cond3A : i32
      scf.if %cond3A_211 {
        %sub3A = arith.constant 4 : i32
        %sub3A_493 = arith.subi %add3A_209, %sub3A : i32
        %mul3A_494 = arith.constant 2 : i32
        %mul3A_495 = arith.muli %sub3A_493, %mul3A_494 : i32
        %add3A_496 = arith.addi %mul3A_2, %mul3A_495 : i32
        %dma_wait3A_497 = arith.constant 0 : i32
        %dma_wait3A_498 = arith.constant 0 : i32
        %dma_wait3A_499 = tpu.memref_slice %arg5[%add3A_496, %dma_wait3A_497, %dma_wait3A_498] : memref<4096x200x32xf32, #tpu.memory_space<hbm>> -> memref<2x200x32xf32, #tpu.memory_space<hbm>>
        %dma_wait3A_500 = arith.constant 0 : i32
        %dma_wait3A_501 = arith.constant 0 : i32
        %dma_wait3A_502 = tpu.memref_slice %arg5[%add3A_496, %dma_wait3A_500, %dma_wait3A_501] : memref<4096x200x32xf32, #tpu.memory_space<hbm>> -> memref<2x200x32xf32, #tpu.memory_space<hbm>>
        tpu.wait_dma2 semaphore(%arg18 : memref<!tpu.dma_semaphore, #tpu.memory_space<semaphore_mem>>) src(%arg10 : memref<2x200x32xf32, #tpu.memory_space<vmem>>) dst(%dma_wait3A_502 : memref<2x200x32xf32, #tpu.memory_space<hbm>>)
        %mul3A_503 = arith.constant 2 : i32
        %mul3A_504 = arith.muli %add3A_209, %mul3A_503 : i32
        %add3A_505 = arith.constant 0 : i32
        %add3A_506 = arith.addi %mul3A_504, %add3A_505 : i32
        %mul3A_507 = arith.constant 2 : i32
        %mul3A_508 = arith.muli %add3A_506, %mul3A_507 : i32
        %add3A_509 = arith.constant 0 : i32
        %add3A_510 = arith.addi %mul3A_508, %add3A_509 : i32
        %dma_start3A_511 = arith.constant 0 : i32
        %dma_start3A_512 = arith.constant 0 : i32
        %dma_start3A_513 = arith.constant 0 : i32
        %dma_start3A_514 = tpu.memref_slice %arg10[%dma_start3A_511, %dma_start3A_512, %dma_start3A_513] : memref<2x200x32xf32, #tpu.memory_space<vmem>> -> memref<1x100x32xf32, #tpu.memory_space<vmem>>
        %dma_start3A_515 = tpu.memref_squeeze %dma_start3A_514 : memref<1x100x32xf32, #tpu.memory_space<vmem>> -> memref<100x32xf32, #tpu.memory_space<vmem>>
        %dma_start3A_516 = arith.constant 0 : i32
        %dma_start3A_517 = tpu.memref_slice %arg6[%add3A_510, %dma_start3A_516] : memref<256x100xi32, #tpu.memory_space<vmem>> -> memref<1x100xi32, #tpu.memory_space<vmem>>
        %dma_start3A_518 = tpu.memref_squeeze %dma_start3A_517 : memref<1x100xi32, #tpu.memory_space<vmem>> -> memref<100xi32, #tpu.memory_space<vmem>>
        %dma_start3A_519 = arith.constant 0 : i32
        %dma_start3A_520 = arith.constant 0 : i32
        %dma_start3A_521 = tpu.memref_slice %arg4[%dma_start3A_519, %dma_start3A_520] : memref<1000000x32xf32, #tpu.memory_space<hbm>> -> memref<1000000x32xf32, #tpu.memory_space<hbm>>
        tpu.enqueue_indirect_dma source(%dma_start3A_521 : memref<1000000x32xf32, #tpu.memory_space<hbm>>) target(%dma_start3A_515 : memref<100x32xf32, #tpu.memory_space<vmem>>) offsets(%dma_start3A_518 : memref<100xi32, #tpu.memory_space<vmem>>) semaphore(%arg14 : memref<!tpu.dma_semaphore, #tpu.memory_space<semaphore_mem>>)
        %add3A_522 = arith.constant 0 : i32
        %add3A_523 = arith.addi %mul3A_504, %add3A_522 : i32
        %mul3A_524 = arith.constant 2 : i32
        %mul3A_525 = arith.muli %add3A_523, %mul3A_524 : i32
        %add3A_526 = arith.constant 1 : i32
        %add3A_527 = arith.addi %mul3A_525, %add3A_526 : i32
        %dma_start3A_528 = arith.constant 0 : i32
        %dma_start3A_529 = arith.constant 100 : i32
        %dma_start3A_530 = arith.constant 0 : i32
        %dma_start3A_531 = tpu.memref_slice %arg10[%dma_start3A_528, %dma_start3A_529, %dma_start3A_530] : memref<2x200x32xf32, #tpu.memory_space<vmem>> -> memref<1x100x32xf32, #tpu.memory_space<vmem>>
        %dma_start3A_532 = tpu.memref_squeeze %dma_start3A_531 : memref<1x100x32xf32, #tpu.memory_space<vmem>> -> memref<100x32xf32, #tpu.memory_space<vmem>>
        %dma_start3A_533 = arith.constant 0 : i32
        %dma_start3A_534 = tpu.memref_slice %arg6[%add3A_527, %dma_start3A_533] : memref<256x100xi32, #tpu.memory_space<vmem>> -> memref<1x100xi32, #tpu.memory_space<vmem>>
        %dma_start3A_535 = tpu.memref_squeeze %dma_start3A_534 : memref<1x100xi32, #tpu.memory_space<vmem>> -> memref<100xi32, #tpu.memory_space<vmem>>
        %dma_start3A_536 = arith.constant 0 : i32
        %dma_start3A_537 = arith.constant 0 : i32
        %dma_start3A_538 = tpu.memref_slice %arg4[%dma_start3A_536, %dma_start3A_537] : memref<1000000x32xf32, #tpu.memory_space<hbm>> -> memref<1000000x32xf32, #tpu.memory_space<hbm>>
        tpu.enqueue_indirect_dma source(%dma_start3A_538 : memref<1000000x32xf32, #tpu.memory_space<hbm>>) target(%dma_start3A_532 : memref<100x32xf32, #tpu.memory_space<vmem>>) offsets(%dma_start3A_535 : memref<100xi32, #tpu.memory_space<vmem>>) semaphore(%arg14 : memref<!tpu.dma_semaphore, #tpu.memory_space<semaphore_mem>>)
        %add3A_539 = arith.constant 1 : i32
        %add3A_540 = arith.addi %mul3A_504, %add3A_539 : i32
        %mul3A_541 = arith.constant 2 : i32
        %mul3A_542 = arith.muli %add3A_540, %mul3A_541 : i32
        %add3A_543 = arith.constant 0 : i32
        %add3A_544 = arith.addi %mul3A_542, %add3A_543 : i32
        %dma_start3A_545 = arith.constant 1 : i32
        %dma_start3A_546 = arith.constant 0 : i32
        %dma_start3A_547 = arith.constant 0 : i32
        %dma_start3A_548 = tpu.memref_slice %arg10[%dma_start3A_545, %dma_start3A_546, %dma_start3A_547] : memref<2x200x32xf32, #tpu.memory_space<vmem>> -> memref<1x100x32xf32, #tpu.memory_space<vmem>>
        %dma_start3A_549 = tpu.memref_squeeze %dma_start3A_548 : memref<1x100x32xf32, #tpu.memory_space<vmem>> -> memref<100x32xf32, #tpu.memory_space<vmem>>
        %dma_start3A_550 = arith.constant 0 : i32
        %dma_start3A_551 = tpu.memref_slice %arg6[%add3A_544, %dma_start3A_550] : memref<256x100xi32, #tpu.memory_space<vmem>> -> memref<1x100xi32, #tpu.memory_space<vmem>>
        %dma_start3A_552 = tpu.memref_squeeze %dma_start3A_551 : memref<1x100xi32, #tpu.memory_space<vmem>> -> memref<100xi32, #tpu.memory_space<vmem>>
        %dma_start3A_553 = arith.constant 0 : i32
        %dma_start3A_554 = arith.constant 0 : i32
        %dma_start3A_555 = tpu.memref_slice %arg4[%dma_start3A_553, %dma_start3A_554] : memref<1000000x32xf32, #tpu.memory_space<hbm>> -> memref<1000000x32xf32, #tpu.memory_space<hbm>>
        tpu.enqueue_indirect_dma source(%dma_start3A_555 : memref<1000000x32xf32, #tpu.memory_space<hbm>>) target(%dma_start3A_549 : memref<100x32xf32, #tpu.memory_space<vmem>>) offsets(%dma_start3A_552 : memref<100xi32, #tpu.memory_space<vmem>>) semaphore(%arg14 : memref<!tpu.dma_semaphore, #tpu.memory_space<semaphore_mem>>)
        %add3A_556 = arith.constant 1 : i32
        %add3A_557 = arith.addi %mul3A_504, %add3A_556 : i32
        %mul3A_558 = arith.constant 2 : i32
        %mul3A_559 = arith.muli %add3A_557, %mul3A_558 : i32
        %add3A_560 = arith.constant 1 : i32
        %add3A_561 = arith.addi %mul3A_559, %add3A_560 : i32
        %dma_start3A_562 = arith.constant 1 : i32
        %dma_start3A_563 = arith.constant 100 : i32
        %dma_start3A_564 = arith.constant 0 : i32
        %dma_start3A_565 = tpu.memref_slice %arg10[%dma_start3A_562, %dma_start3A_563, %dma_start3A_564] : memref<2x200x32xf32, #tpu.memory_space<vmem>> -> memref<1x100x32xf32, #tpu.memory_space<vmem>>
        %dma_start3A_566 = tpu.memref_squeeze %dma_start3A_565 : memref<1x100x32xf32, #tpu.memory_space<vmem>> -> memref<100x32xf32, #tpu.memory_space<vmem>>
        %dma_start3A_567 = arith.constant 0 : i32
        %dma_start3A_568 = tpu.memref_slice %arg6[%add3A_561, %dma_start3A_567] : memref<256x100xi32, #tpu.memory_space<vmem>> -> memref<1x100xi32, #tpu.memory_space<vmem>>
        %dma_start3A_569 = tpu.memref_squeeze %dma_start3A_568 : memref<1x100xi32, #tpu.memory_space<vmem>> -> memref<100xi32, #tpu.memory_space<vmem>>
        %dma_start3A_570 = arith.constant 0 : i32
        %dma_start3A_571 = arith.constant 0 : i32
        %dma_start3A_572 = tpu.memref_slice %arg4[%dma_start3A_570, %dma_start3A_571] : memref<1000000x32xf32, #tpu.memory_space<hbm>> -> memref<1000000x32xf32, #tpu.memory_space<hbm>>
        tpu.enqueue_indirect_dma source(%dma_start3A_572 : memref<1000000x32xf32, #tpu.memory_space<hbm>>) target(%dma_start3A_566 : memref<100x32xf32, #tpu.memory_space<vmem>>) offsets(%dma_start3A_569 : memref<100xi32, #tpu.memory_space<vmem>>) semaphore(%arg14 : memref<!tpu.dma_semaphore, #tpu.memory_space<semaphore_mem>>)
      } else {
        %mul3A_493 = arith.constant 2 : i32
        %mul3A_494 = arith.muli %add3A_209, %mul3A_493 : i32
        %add3A_495 = arith.constant 0 : i32
        %add3A_496 = arith.addi %mul3A_494, %add3A_495 : i32
        %mul3A_497 = arith.constant 2 : i32
        %mul3A_498 = arith.muli %add3A_496, %mul3A_497 : i32
        %add3A_499 = arith.constant 0 : i32
        %add3A_500 = arith.addi %mul3A_498, %add3A_499 : i32
        %dma_start3A_501 = arith.constant 0 : i32
        %dma_start3A_502 = arith.constant 0 : i32
        %dma_start3A_503 = arith.constant 0 : i32
        %dma_start3A_504 = tpu.memref_slice %arg10[%dma_start3A_501, %dma_start3A_502, %dma_start3A_503] : memref<2x200x32xf32, #tpu.memory_space<vmem>> -> memref<1x100x32xf32, #tpu.memory_space<vmem>>
        %dma_start3A_505 = tpu.memref_squeeze %dma_start3A_504 : memref<1x100x32xf32, #tpu.memory_space<vmem>> -> memref<100x32xf32, #tpu.memory_space<vmem>>
        %dma_start3A_506 = arith.constant 0 : i32
        %dma_start3A_507 = tpu.memref_slice %arg6[%add3A_500, %dma_start3A_506] : memref<256x100xi32, #tpu.memory_space<vmem>> -> memref<1x100xi32, #tpu.memory_space<vmem>>
        %dma_start3A_508 = tpu.memref_squeeze %dma_start3A_507 : memref<1x100xi32, #tpu.memory_space<vmem>> -> memref<100xi32, #tpu.memory_space<vmem>>
        %dma_start3A_509 = arith.constant 0 : i32
        %dma_start3A_510 = arith.constant 0 : i32
        %dma_start3A_511 = tpu.memref_slice %arg4[%dma_start3A_509, %dma_start3A_510] : memref<1000000x32xf32, #tpu.memory_space<hbm>> -> memref<1000000x32xf32, #tpu.memory_space<hbm>>
        tpu.enqueue_indirect_dma source(%dma_start3A_511 : memref<1000000x32xf32, #tpu.memory_space<hbm>>) target(%dma_start3A_505 : memref<100x32xf32, #tpu.memory_space<vmem>>) offsets(%dma_start3A_508 : memref<100xi32, #tpu.memory_space<vmem>>) semaphore(%arg14 : memref<!tpu.dma_semaphore, #tpu.memory_space<semaphore_mem>>)
        %add3A_512 = arith.constant 0 : i32
        %add3A_513 = arith.addi %mul3A_494, %add3A_512 : i32
        %mul3A_514 = arith.constant 2 : i32
        %mul3A_515 = arith.muli %add3A_513, %mul3A_514 : i32
        %add3A_516 = arith.constant 1 : i32
        %add3A_517 = arith.addi %mul3A_515, %add3A_516 : i32
        %dma_start3A_518 = arith.constant 0 : i32
        %dma_start3A_519 = arith.constant 100 : i32
        %dma_start3A_520 = arith.constant 0 : i32
        %dma_start3A_521 = tpu.memref_slice %arg10[%dma_start3A_518, %dma_start3A_519, %dma_start3A_520] : memref<2x200x32xf32, #tpu.memory_space<vmem>> -> memref<1x100x32xf32, #tpu.memory_space<vmem>>
        %dma_start3A_522 = tpu.memref_squeeze %dma_start3A_521 : memref<1x100x32xf32, #tpu.memory_space<vmem>> -> memref<100x32xf32, #tpu.memory_space<vmem>>
        %dma_start3A_523 = arith.constant 0 : i32
        %dma_start3A_524 = tpu.memref_slice %arg6[%add3A_517, %dma_start3A_523] : memref<256x100xi32, #tpu.memory_space<vmem>> -> memref<1x100xi32, #tpu.memory_space<vmem>>
        %dma_start3A_525 = tpu.memref_squeeze %dma_start3A_524 : memref<1x100xi32, #tpu.memory_space<vmem>> -> memref<100xi32, #tpu.memory_space<vmem>>
        %dma_start3A_526 = arith.constant 0 : i32
        %dma_start3A_527 = arith.constant 0 : i32
        %dma_start3A_528 = tpu.memref_slice %arg4[%dma_start3A_526, %dma_start3A_527] : memref<1000000x32xf32, #tpu.memory_space<hbm>> -> memref<1000000x32xf32, #tpu.memory_space<hbm>>
        tpu.enqueue_indirect_dma source(%dma_start3A_528 : memref<1000000x32xf32, #tpu.memory_space<hbm>>) target(%dma_start3A_522 : memref<100x32xf32, #tpu.memory_space<vmem>>) offsets(%dma_start3A_525 : memref<100xi32, #tpu.memory_space<vmem>>) semaphore(%arg14 : memref<!tpu.dma_semaphore, #tpu.memory_space<semaphore_mem>>)
        %add3A_529 = arith.constant 1 : i32
        %add3A_530 = arith.addi %mul3A_494, %add3A_529 : i32
        %mul3A_531 = arith.constant 2 : i32
        %mul3A_532 = arith.muli %add3A_530, %mul3A_531 : i32
        %add3A_533 = arith.constant 0 : i32
        %add3A_534 = arith.addi %mul3A_532, %add3A_533 : i32
        %dma_start3A_535 = arith.constant 1 : i32
        %dma_start3A_536 = arith.constant 0 : i32
        %dma_start3A_537 = arith.constant 0 : i32
        %dma_start3A_538 = tpu.memref_slice %arg10[%dma_start3A_535, %dma_start3A_536, %dma_start3A_537] : memref<2x200x32xf32, #tpu.memory_space<vmem>> -> memref<1x100x32xf32, #tpu.memory_space<vmem>>
        %dma_start3A_539 = tpu.memref_squeeze %dma_start3A_538 : memref<1x100x32xf32, #tpu.memory_space<vmem>> -> memref<100x32xf32, #tpu.memory_space<vmem>>
        %dma_start3A_540 = arith.constant 0 : i32
        %dma_start3A_541 = tpu.memref_slice %arg6[%add3A_534, %dma_start3A_540] : memref<256x100xi32, #tpu.memory_space<vmem>> -> memref<1x100xi32, #tpu.memory_space<vmem>>
        %dma_start3A_542 = tpu.memref_squeeze %dma_start3A_541 : memref<1x100xi32, #tpu.memory_space<vmem>> -> memref<100xi32, #tpu.memory_space<vmem>>
        %dma_start3A_543 = arith.constant 0 : i32
        %dma_start3A_544 = arith.constant 0 : i32
        %dma_start3A_545 = tpu.memref_slice %arg4[%dma_start3A_543, %dma_start3A_544] : memref<1000000x32xf32, #tpu.memory_space<hbm>> -> memref<1000000x32xf32, #tpu.memory_space<hbm>>
        tpu.enqueue_indirect_dma source(%dma_start3A_545 : memref<1000000x32xf32, #tpu.memory_space<hbm>>) target(%dma_start3A_539 : memref<100x32xf32, #tpu.memory_space<vmem>>) offsets(%dma_start3A_542 : memref<100xi32, #tpu.memory_space<vmem>>) semaphore(%arg14 : memref<!tpu.dma_semaphore, #tpu.memory_space<semaphore_mem>>)
        %add3A_546 = arith.constant 1 : i32
        %add3A_547 = arith.addi %mul3A_494, %add3A_546 : i32
        %mul3A_548 = arith.constant 2 : i32
        %mul3A_549 = arith.muli %add3A_547, %mul3A_548 : i32
        %add3A_550 = arith.constant 1 : i32
        %add3A_551 = arith.addi %mul3A_549, %add3A_550 : i32
        %dma_start3A_552 = arith.constant 1 : i32
        %dma_start3A_553 = arith.constant 100 : i32
        %dma_start3A_554 = arith.constant 0 : i32
        %dma_start3A_555 = tpu.memref_slice %arg10[%dma_start3A_552, %dma_start3A_553, %dma_start3A_554] : memref<2x200x32xf32, #tpu.memory_space<vmem>> -> memref<1x100x32xf32, #tpu.memory_space<vmem>>
        %dma_start3A_556 = tpu.memref_squeeze %dma_start3A_555 : memref<1x100x32xf32, #tpu.memory_space<vmem>> -> memref<100x32xf32, #tpu.memory_space<vmem>>
        %dma_start3A_557 = arith.constant 0 : i32
        %dma_start3A_558 = tpu.memref_slice %arg6[%add3A_551, %dma_start3A_557] : memref<256x100xi32, #tpu.memory_space<vmem>> -> memref<1x100xi32, #tpu.memory_space<vmem>>
        %dma_start3A_559 = tpu.memref_squeeze %dma_start3A_558 : memref<1x100xi32, #tpu.memory_space<vmem>> -> memref<100xi32, #tpu.memory_space<vmem>>
        %dma_start3A_560 = arith.constant 0 : i32
        %dma_start3A_561 = arith.constant 0 : i32
        %dma_start3A_562 = tpu.memref_slice %arg4[%dma_start3A_560, %dma_start3A_561] : memref<1000000x32xf32, #tpu.memory_space<hbm>> -> memref<1000000x32xf32, #tpu.memory_space<hbm>>
        tpu.enqueue_indirect_dma source(%dma_start3A_562 : memref<1000000x32xf32, #tpu.memory_space<hbm>>) target(%dma_start3A_556 : memref<100x32xf32, #tpu.memory_space<vmem>>) offsets(%dma_start3A_559 : memref<100xi32, #tpu.memory_space<vmem>>) semaphore(%arg14 : memref<!tpu.dma_semaphore, #tpu.memory_space<semaphore_mem>>)
      }
      %add3A_212 = arith.constant 1 : i32
      %add3A_213 = arith.addi %mul3A_120, %add3A_212 : i32
      %mul3A_214 = arith.constant 2 : i32
      %mul3A_215 = arith.muli %add3A_213, %mul3A_214 : i32
      %add3A_216 = arith.constant 0 : i32
      %add3A_217 = arith.addi %mul3A_215, %add3A_216 : i32
      %mul3A_218 = arith.constant 2 : i32
      %mul3A_219 = arith.muli %add3A_217, %mul3A_218 : i32
      %add3A_220 = arith.constant 0 : i32
      %add3A_221 = arith.addi %mul3A_219, %add3A_220 : i32
      %dma_wait3A_222 = arith.constant 0 : i32
      %dma_wait3A_223 = arith.constant 0 : i32
      %dma_wait3A_224 = arith.constant 0 : i32
      %dma_wait3A_225 = tpu.memref_slice %arg9[%dma_wait3A_222, %dma_wait3A_223, %dma_wait3A_224] : memref<2x200x32xf32, #tpu.memory_space<vmem>> -> memref<1x100x32xf32, #tpu.memory_space<vmem>>
      %dma_wait3A_226 = tpu.memref_squeeze %dma_wait3A_225 : memref<1x100x32xf32, #tpu.memory_space<vmem>> -> memref<100x32xf32, #tpu.memory_space<vmem>>
      %dma_wait3A_227 = arith.constant 0 : i32
      %dma_wait3A_228 = tpu.memref_slice %arg6[%add3A_221, %dma_wait3A_227] : memref<256x100xi32, #tpu.memory_space<vmem>> -> memref<1x100xi32, #tpu.memory_space<vmem>>
      %dma_wait3A_229 = tpu.memref_squeeze %dma_wait3A_228 : memref<1x100xi32, #tpu.memory_space<vmem>> -> memref<100xi32, #tpu.memory_space<vmem>>
      %dma_wait3A_230 = arith.constant 0 : i32
      %dma_wait3A_231 = arith.constant 0 : i32
      %dma_wait3A_232 = tpu.memref_slice %arg4[%dma_wait3A_230, %dma_wait3A_231] : memref<1000000x32xf32, #tpu.memory_space<hbm>> -> memref<1000000x32xf32, #tpu.memory_space<hbm>>
      tpu.wait_indirect_dma semaphore(%arg13 : memref<!tpu.dma_semaphore, #tpu.memory_space<semaphore_mem>>) src(%dma_wait3A_232 : memref<1000000x32xf32, #tpu.memory_space<hbm>>) dst(%dma_wait3A_226 : memref<100x32xf32, #tpu.memory_space<vmem>>)
      %add3A_233 = arith.constant 0 : i32
      %add3A_234 = arith.addi %mul3A_215, %add3A_233 : i32
      %mul3A_235 = arith.constant 2 : i32
      %mul3A_236 = arith.muli %add3A_234, %mul3A_235 : i32
      %add3A_237 = arith.constant 1 : i32
      %add3A_238 = arith.addi %mul3A_236, %add3A_237 : i32
      %dma_wait3A_239 = arith.constant 0 : i32
      %dma_wait3A_240 = arith.constant 100 : i32
      %dma_wait3A_241 = arith.constant 0 : i32
      %dma_wait3A_242 = tpu.memref_slice %arg9[%dma_wait3A_239, %dma_wait3A_240, %dma_wait3A_241] : memref<2x200x32xf32, #tpu.memory_space<vmem>> -> memref<1x100x32xf32, #tpu.memory_space<vmem>>
      %dma_wait3A_243 = tpu.memref_squeeze %dma_wait3A_242 : memref<1x100x32xf32, #tpu.memory_space<vmem>> -> memref<100x32xf32, #tpu.memory_space<vmem>>
      %dma_wait3A_244 = arith.constant 0 : i32
      %dma_wait3A_245 = tpu.memref_slice %arg6[%add3A_238, %dma_wait3A_244] : memref<256x100xi32, #tpu.memory_space<vmem>> -> memref<1x100xi32, #tpu.memory_space<vmem>>
      %dma_wait3A_246 = tpu.memref_squeeze %dma_wait3A_245 : memref<1x100xi32, #tpu.memory_space<vmem>> -> memref<100xi32, #tpu.memory_space<vmem>>
      %dma_wait3A_247 = arith.constant 0 : i32
      %dma_wait3A_248 = arith.constant 0 : i32
      %dma_wait3A_249 = tpu.memref_slice %arg4[%dma_wait3A_247, %dma_wait3A_248] : memref<1000000x32xf32, #tpu.memory_space<hbm>> -> memref<1000000x32xf32, #tpu.memory_space<hbm>>
      tpu.wait_indirect_dma semaphore(%arg13 : memref<!tpu.dma_semaphore, #tpu.memory_space<semaphore_mem>>) src(%dma_wait3A_249 : memref<1000000x32xf32, #tpu.memory_space<hbm>>) dst(%dma_wait3A_243 : memref<100x32xf32, #tpu.memory_space<vmem>>)
      %add3A_250 = arith.constant 1 : i32
      %add3A_251 = arith.addi %mul3A_215, %add3A_250 : i32
      %mul3A_252 = arith.constant 2 : i32
      %mul3A_253 = arith.muli %add3A_251, %mul3A_252 : i32
      %add3A_254 = arith.constant 0 : i32
      %add3A_255 = arith.addi %mul3A_253, %add3A_254 : i32
      %dma_wait3A_256 = arith.constant 1 : i32
      %dma_wait3A_257 = arith.constant 0 : i32
      %dma_wait3A_258 = arith.constant 0 : i32
      %dma_wait3A_259 = tpu.memref_slice %arg9[%dma_wait3A_256, %dma_wait3A_257, %dma_wait3A_258] : memref<2x200x32xf32, #tpu.memory_space<vmem>> -> memref<1x100x32xf32, #tpu.memory_space<vmem>>
      %dma_wait3A_260 = tpu.memref_squeeze %dma_wait3A_259 : memref<1x100x32xf32, #tpu.memory_space<vmem>> -> memref<100x32xf32, #tpu.memory_space<vmem>>
      %dma_wait3A_261 = arith.constant 0 : i32
      %dma_wait3A_262 = tpu.memref_slice %arg6[%add3A_255, %dma_wait3A_261] : memref<256x100xi32, #tpu.memory_space<vmem>> -> memref<1x100xi32, #tpu.memory_space<vmem>>
      %dma_wait3A_263 = tpu.memref_squeeze %dma_wait3A_262 : memref<1x100xi32, #tpu.memory_space<vmem>> -> memref<100xi32, #tpu.memory_space<vmem>>
      %dma_wait3A_264 = arith.constant 0 : i32
      %dma_wait3A_265 = arith.constant 0 : i32
      %dma_wait3A_266 = tpu.memref_slice %arg4[%dma_wait3A_264, %dma_wait3A_265] : memref<1000000x32xf32, #tpu.memory_space<hbm>> -> memref<1000000x32xf32, #tpu.memory_space<hbm>>
      tpu.wait_indirect_dma semaphore(%arg13 : memref<!tpu.dma_semaphore, #tpu.memory_space<semaphore_mem>>) src(%dma_wait3A_266 : memref<1000000x32xf32, #tpu.memory_space<hbm>>) dst(%dma_wait3A_260 : memref<100x32xf32, #tpu.memory_space<vmem>>)
      %add3A_267 = arith.constant 1 : i32
      %add3A_268 = arith.addi %mul3A_215, %add3A_267 : i32
      %mul3A_269 = arith.constant 2 : i32
      %mul3A_270 = arith.muli %add3A_268, %mul3A_269 : i32
      %add3A_271 = arith.constant 1 : i32
      %add3A_272 = arith.addi %mul3A_270, %add3A_271 : i32
      %dma_wait3A_273 = arith.constant 1 : i32
      %dma_wait3A_274 = arith.constant 100 : i32
      %dma_wait3A_275 = arith.constant 0 : i32
      %dma_wait3A_276 = tpu.memref_slice %arg9[%dma_wait3A_273, %dma_wait3A_274, %dma_wait3A_275] : memref<2x200x32xf32, #tpu.memory_space<vmem>> -> memref<1x100x32xf32, #tpu.memory_space<vmem>>
      %dma_wait3A_277 = tpu.memref_squeeze %dma_wait3A_276 : memref<1x100x32xf32, #tpu.memory_space<vmem>> -> memref<100x32xf32, #tpu.memory_space<vmem>>
      %dma_wait3A_278 = arith.constant 0 : i32
      %dma_wait3A_279 = tpu.memref_slice %arg6[%add3A_272, %dma_wait3A_278] : memref<256x100xi32, #tpu.memory_space<vmem>> -> memref<1x100xi32, #tpu.memory_space<vmem>>
      %dma_wait3A_280 = tpu.memref_squeeze %dma_wait3A_279 : memref<1x100xi32, #tpu.memory_space<vmem>> -> memref<100xi32, #tpu.memory_space<vmem>>
      %dma_wait3A_281 = arith.constant 0 : i32
      %dma_wait3A_282 = arith.constant 0 : i32
      %dma_wait3A_283 = tpu.memref_slice %arg4[%dma_wait3A_281, %dma_wait3A_282] : memref<1000000x32xf32, #tpu.memory_space<hbm>> -> memref<1000000x32xf32, #tpu.memory_space<hbm>>
      tpu.wait_indirect_dma semaphore(%arg13 : memref<!tpu.dma_semaphore, #tpu.memory_space<semaphore_mem>>) src(%dma_wait3A_283 : memref<1000000x32xf32, #tpu.memory_space<hbm>>) dst(%dma_wait3A_277 : memref<100x32xf32, #tpu.memory_space<vmem>>)
      %scan3A_284 = arith.constant 0 : i32
      %scan3A_285 = arith.constant 0 : i32
      %scan3A_286 = arith.constant 200 : i32
      %scan3A_287 = arith.addi %scan3A_285, %scan3A_286 : i32
      %scan3A_288 = arith.constant 1 : i32
      scf.for %scan3A_493 = %scan3A_285 to %scan3A_287 step %scan3A_288  : i32 {
        %get3A = arith.index_cast %scan3A_493 : i32 to index
        %get3A_494 = arith.constant 0 : index
        %get3A_495 = tpu.vector_load %arg7[%get3A, %get3A_494] {strides = array<i32>} : memref<200x32xf32, #tpu.memory_space<vmem>>, vector<1x16xf32>,
        %get3A_496 = vector.shape_cast %get3A_495 : vector<1x16xf32> to vector<16xf32>
        %get3A_497 = arith.index_cast %scan3A_493 : i32 to index
        %get3A_498 = arith.constant 16 : index
        %get3A_499 = tpu.vector_load %arg7[%get3A_497, %get3A_498] {strides = array<i32>} : memref<200x32xf32, #tpu.memory_space<vmem>>, vector<1x16xf32>,
        %get3A_500 = vector.shape_cast %get3A_499 : vector<1x16xf32> to vector<16xf32>
        %swap3A = arith.constant 0 : i32
        %swap3A_501 = arith.index_cast %swap3A : i32 to index
        %swap3A_502 = arith.index_cast %scan3A_493 : i32 to index
        %swap3A_503 = arith.constant 0 : index
        %swap3A_504 = tpu.vector_load %arg9[%swap3A_501, %swap3A_502, %swap3A_503] {strides = array<i32>} : memref<2x200x32xf32, #tpu.memory_space<vmem>>, vector<1x1x16xf32>,
        %swap3A_505 = vector.shape_cast %swap3A_504 : vector<1x1x16xf32> to vector<16xf32>
        %swap3A_506 = vector.shape_cast %get3A_496 : vector<16xf32> to vector<1x1x16xf32>
        tpu.vector_store %arg9[%swap3A_501, %swap3A_502, %swap3A_503], %swap3A_506 {add = true, strides = array<i32>} : memref<2x200x32xf32, #tpu.memory_space<vmem>>, vector<1x1x16xf32>,
        %swap3A_507 = arith.constant 0 : i32
        %swap3A_508 = arith.index_cast %swap3A_507 : i32 to index
        %swap3A_509 = arith.index_cast %scan3A_493 : i32 to index
        %swap3A_510 = arith.constant 16 : index
        %swap3A_511 = tpu.vector_load %arg9[%swap3A_508, %swap3A_509, %swap3A_510] {strides = array<i32>} : memref<2x200x32xf32, #tpu.memory_space<vmem>>, vector<1x1x16xf32>,
        %swap3A_512 = vector.shape_cast %swap3A_511 : vector<1x1x16xf32> to vector<16xf32>
        %swap3A_513 = vector.shape_cast %get3A_500 : vector<16xf32> to vector<1x1x16xf32>
        tpu.vector_store %arg9[%swap3A_508, %swap3A_509, %swap3A_510], %swap3A_513 {add = true, strides = array<i32>} : memref<2x200x32xf32, #tpu.memory_space<vmem>>, vector<1x1x16xf32>,
        %swap3A_514 = arith.constant 1 : i32
        %swap3A_515 = arith.index_cast %swap3A_514 : i32 to index
        %swap3A_516 = arith.index_cast %scan3A_493 : i32 to index
        %swap3A_517 = arith.constant 0 : index
        %swap3A_518 = tpu.vector_load %arg9[%swap3A_515, %swap3A_516, %swap3A_517] {strides = array<i32>} : memref<2x200x32xf32, #tpu.memory_space<vmem>>, vector<1x1x16xf32>,
        %swap3A_519 = vector.shape_cast %swap3A_518 : vector<1x1x16xf32> to vector<16xf32>
        %swap3A_520 = vector.shape_cast %get3A_496 : vector<16xf32> to vector<1x1x16xf32>
        tpu.vector_store %arg9[%swap3A_515, %swap3A_516, %swap3A_517], %swap3A_520 {add = true, strides = array<i32>} : memref<2x200x32xf32, #tpu.memory_space<vmem>>, vector<1x1x16xf32>,
        %swap3A_521 = arith.constant 1 : i32
        %swap3A_522 = arith.index_cast %swap3A_521 : i32 to index
        %swap3A_523 = arith.index_cast %scan3A_493 : i32 to index
        %swap3A_524 = arith.constant 16 : index
        %swap3A_525 = tpu.vector_load %arg9[%swap3A_522, %swap3A_523, %swap3A_524] {strides = array<i32>} : memref<2x200x32xf32, #tpu.memory_space<vmem>>, vector<1x1x16xf32>,
        %swap3A_526 = vector.shape_cast %swap3A_525 : vector<1x1x16xf32> to vector<16xf32>
        %swap3A_527 = vector.shape_cast %get3A_500 : vector<16xf32> to vector<1x1x16xf32>
        tpu.vector_store %arg9[%swap3A_522, %swap3A_523, %swap3A_524], %swap3A_527 {add = true, strides = array<i32>} : memref<2x200x32xf32, #tpu.memory_space<vmem>>, vector<1x1x16xf32>,
      }
      %scan3A_289 = arith.constant 200 : i32
      %mul3A_290 = arith.constant 2 : i32
      %mul3A_291 = arith.muli %add3A_213, %mul3A_290 : i32
      %add3A_292 = arith.addi %mul3A_2, %mul3A_291 : i32
      %dma_start3A_293 = arith.constant 0 : i32
      %dma_start3A_294 = arith.constant 0 : i32
      %dma_start3A_295 = tpu.memref_slice %arg5[%add3A_292, %dma_start3A_293, %dma_start3A_294] : memref<4096x200x32xf32, #tpu.memory_space<hbm>> -> memref<2x200x32xf32, #tpu.memory_space<hbm>>
      %dma_start3A_296 = arith.constant 0 : i32
      %dma_start3A_297 = arith.constant 0 : i32
      %dma_start3A_298 = tpu.memref_slice %arg5[%add3A_292, %dma_start3A_296, %dma_start3A_297] : memref<4096x200x32xf32, #tpu.memory_space<hbm>> -> memref<2x200x32xf32, #tpu.memory_space<hbm>>
      tpu.enqueue_dma source(%arg9 : memref<2x200x32xf32, #tpu.memory_space<vmem>>) target(%dma_start3A_298 : memref<2x200x32xf32, #tpu.memory_space<hbm>>) target_semaphore(%arg17 : memref<!tpu.dma_semaphore, #tpu.memory_space<semaphore_mem>>)
      %add3A_299 = arith.constant 2 : i32
      %add3A_300 = arith.addi %add3A_213, %add3A_299 : i32
      %gt3A_301 = arith.constant 0 : i32
      %gt3A_302 = arith.cmpi sgt, %scan3A_118, %gt3A_301 : i32
      %convert_element_type3A_303 = arith.extui %gt3A_302 : i1 to i32
      %cond3A_304 = arith.constant 0 : i32
      %cond3A_305 = arith.cmpi ne, %convert_element_type3A_303, %cond3A_304 : i32
      scf.if %cond3A_305 {
        %sub3A = arith.constant 4 : i32
        %sub3A_493 = arith.subi %add3A_300, %sub3A : i32
        %mul3A_494 = arith.constant 2 : i32
        %mul3A_495 = arith.muli %sub3A_493, %mul3A_494 : i32
        %add3A_496 = arith.addi %mul3A_2, %mul3A_495 : i32
        %dma_wait3A_497 = arith.constant 0 : i32
        %dma_wait3A_498 = arith.constant 0 : i32
        %dma_wait3A_499 = tpu.memref_slice %arg5[%add3A_496, %dma_wait3A_497, %dma_wait3A_498] : memref<4096x200x32xf32, #tpu.memory_space<hbm>> -> memref<2x200x32xf32, #tpu.memory_space<hbm>>
        %dma_wait3A_500 = arith.constant 0 : i32
        %dma_wait3A_501 = arith.constant 0 : i32
        %dma_wait3A_502 = tpu.memref_slice %arg5[%add3A_496, %dma_wait3A_500, %dma_wait3A_501] : memref<4096x200x32xf32, #tpu.memory_space<hbm>> -> memref<2x200x32xf32, #tpu.memory_space<hbm>>
        tpu.wait_dma2 semaphore(%arg19 : memref<!tpu.dma_semaphore, #tpu.memory_space<semaphore_mem>>) src(%arg11 : memref<2x200x32xf32, #tpu.memory_space<vmem>>) dst(%dma_wait3A_502 : memref<2x200x32xf32, #tpu.memory_space<hbm>>)
        %mul3A_503 = arith.constant 2 : i32
        %mul3A_504 = arith.muli %add3A_300, %mul3A_503 : i32
        %add3A_505 = arith.constant 0 : i32
        %add3A_506 = arith.addi %mul3A_504, %add3A_505 : i32
        %mul3A_507 = arith.constant 2 : i32
        %mul3A_508 = arith.muli %add3A_506, %mul3A_507 : i32
        %add3A_509 = arith.constant 0 : i32
        %add3A_510 = arith.addi %mul3A_508, %add3A_509 : i32
        %dma_start3A_511 = arith.constant 0 : i32
        %dma_start3A_512 = arith.constant 0 : i32
        %dma_start3A_513 = arith.constant 0 : i32
        %dma_start3A_514 = tpu.memref_slice %arg11[%dma_start3A_511, %dma_start3A_512, %dma_start3A_513] : memref<2x200x32xf32, #tpu.memory_space<vmem>> -> memref<1x100x32xf32, #tpu.memory_space<vmem>>
        %dma_start3A_515 = tpu.memref_squeeze %dma_start3A_514 : memref<1x100x32xf32, #tpu.memory_space<vmem>> -> memref<100x32xf32, #tpu.memory_space<vmem>>
        %dma_start3A_516 = arith.constant 0 : i32
        %dma_start3A_517 = tpu.memref_slice %arg6[%add3A_510, %dma_start3A_516] : memref<256x100xi32, #tpu.memory_space<vmem>> -> memref<1x100xi32, #tpu.memory_space<vmem>>
        %dma_start3A_518 = tpu.memref_squeeze %dma_start3A_517 : memref<1x100xi32, #tpu.memory_space<vmem>> -> memref<100xi32, #tpu.memory_space<vmem>>
        %dma_start3A_519 = arith.constant 0 : i32
        %dma_start3A_520 = arith.constant 0 : i32
        %dma_start3A_521 = tpu.memref_slice %arg4[%dma_start3A_519, %dma_start3A_520] : memref<1000000x32xf32, #tpu.memory_space<hbm>> -> memref<1000000x32xf32, #tpu.memory_space<hbm>>
        tpu.enqueue_indirect_dma source(%dma_start3A_521 : memref<1000000x32xf32, #tpu.memory_space<hbm>>) target(%dma_start3A_515 : memref<100x32xf32, #tpu.memory_space<vmem>>) offsets(%dma_start3A_518 : memref<100xi32, #tpu.memory_space<vmem>>) semaphore(%arg15 : memref<!tpu.dma_semaphore, #tpu.memory_space<semaphore_mem>>)
        %add3A_522 = arith.constant 0 : i32
        %add3A_523 = arith.addi %mul3A_504, %add3A_522 : i32
        %mul3A_524 = arith.constant 2 : i32
        %mul3A_525 = arith.muli %add3A_523, %mul3A_524 : i32
        %add3A_526 = arith.constant 1 : i32
        %add3A_527 = arith.addi %mul3A_525, %add3A_526 : i32
        %dma_start3A_528 = arith.constant 0 : i32
        %dma_start3A_529 = arith.constant 100 : i32
        %dma_start3A_530 = arith.constant 0 : i32
        %dma_start3A_531 = tpu.memref_slice %arg11[%dma_start3A_528, %dma_start3A_529, %dma_start3A_530] : memref<2x200x32xf32, #tpu.memory_space<vmem>> -> memref<1x100x32xf32, #tpu.memory_space<vmem>>
        %dma_start3A_532 = tpu.memref_squeeze %dma_start3A_531 : memref<1x100x32xf32, #tpu.memory_space<vmem>> -> memref<100x32xf32, #tpu.memory_space<vmem>>
        %dma_start3A_533 = arith.constant 0 : i32
        %dma_start3A_534 = tpu.memref_slice %arg6[%add3A_527, %dma_start3A_533] : memref<256x100xi32, #tpu.memory_space<vmem>> -> memref<1x100xi32, #tpu.memory_space<vmem>>
        %dma_start3A_535 = tpu.memref_squeeze %dma_start3A_534 : memref<1x100xi32, #tpu.memory_space<vmem>> -> memref<100xi32, #tpu.memory_space<vmem>>
        %dma_start3A_536 = arith.constant 0 : i32
        %dma_start3A_537 = arith.constant 0 : i32
        %dma_start3A_538 = tpu.memref_slice %arg4[%dma_start3A_536, %dma_start3A_537] : memref<1000000x32xf32, #tpu.memory_space<hbm>> -> memref<1000000x32xf32, #tpu.memory_space<hbm>>
        tpu.enqueue_indirect_dma source(%dma_start3A_538 : memref<1000000x32xf32, #tpu.memory_space<hbm>>) target(%dma_start3A_532 : memref<100x32xf32, #tpu.memory_space<vmem>>) offsets(%dma_start3A_535 : memref<100xi32, #tpu.memory_space<vmem>>) semaphore(%arg15 : memref<!tpu.dma_semaphore, #tpu.memory_space<semaphore_mem>>)
        %add3A_539 = arith.constant 1 : i32
        %add3A_540 = arith.addi %mul3A_504, %add3A_539 : i32
        %mul3A_541 = arith.constant 2 : i32
        %mul3A_542 = arith.muli %add3A_540, %mul3A_541 : i32
        %add3A_543 = arith.constant 0 : i32
        %add3A_544 = arith.addi %mul3A_542, %add3A_543 : i32
        %dma_start3A_545 = arith.constant 1 : i32
        %dma_start3A_546 = arith.constant 0 : i32
        %dma_start3A_547 = arith.constant 0 : i32
        %dma_start3A_548 = tpu.memref_slice %arg11[%dma_start3A_545, %dma_start3A_546, %dma_start3A_547] : memref<2x200x32xf32, #tpu.memory_space<vmem>> -> memref<1x100x32xf32, #tpu.memory_space<vmem>>
        %dma_start3A_549 = tpu.memref_squeeze %dma_start3A_548 : memref<1x100x32xf32, #tpu.memory_space<vmem>> -> memref<100x32xf32, #tpu.memory_space<vmem>>
        %dma_start3A_550 = arith.constant 0 : i32
        %dma_start3A_551 = tpu.memref_slice %arg6[%add3A_544, %dma_start3A_550] : memref<256x100xi32, #tpu.memory_space<vmem>> -> memref<1x100xi32, #tpu.memory_space<vmem>>
        %dma_start3A_552 = tpu.memref_squeeze %dma_start3A_551 : memref<1x100xi32, #tpu.memory_space<vmem>> -> memref<100xi32, #tpu.memory_space<vmem>>
        %dma_start3A_553 = arith.constant 0 : i32
        %dma_start3A_554 = arith.constant 0 : i32
        %dma_start3A_555 = tpu.memref_slice %arg4[%dma_start3A_553, %dma_start3A_554] : memref<1000000x32xf32, #tpu.memory_space<hbm>> -> memref<1000000x32xf32, #tpu.memory_space<hbm>>
        tpu.enqueue_indirect_dma source(%dma_start3A_555 : memref<1000000x32xf32, #tpu.memory_space<hbm>>) target(%dma_start3A_549 : memref<100x32xf32, #tpu.memory_space<vmem>>) offsets(%dma_start3A_552 : memref<100xi32, #tpu.memory_space<vmem>>) semaphore(%arg15 : memref<!tpu.dma_semaphore, #tpu.memory_space<semaphore_mem>>)
        %add3A_556 = arith.constant 1 : i32
        %add3A_557 = arith.addi %mul3A_504, %add3A_556 : i32
        %mul3A_558 = arith.constant 2 : i32
        %mul3A_559 = arith.muli %add3A_557, %mul3A_558 : i32
        %add3A_560 = arith.constant 1 : i32
        %add3A_561 = arith.addi %mul3A_559, %add3A_560 : i32
        %dma_start3A_562 = arith.constant 1 : i32
        %dma_start3A_563 = arith.constant 100 : i32
        %dma_start3A_564 = arith.constant 0 : i32
        %dma_start3A_565 = tpu.memref_slice %arg11[%dma_start3A_562, %dma_start3A_563, %dma_start3A_564] : memref<2x200x32xf32, #tpu.memory_space<vmem>> -> memref<1x100x32xf32, #tpu.memory_space<vmem>>
        %dma_start3A_566 = tpu.memref_squeeze %dma_start3A_565 : memref<1x100x32xf32, #tpu.memory_space<vmem>> -> memref<100x32xf32, #tpu.memory_space<vmem>>
        %dma_start3A_567 = arith.constant 0 : i32
        %dma_start3A_568 = tpu.memref_slice %arg6[%add3A_561, %dma_start3A_567] : memref<256x100xi32, #tpu.memory_space<vmem>> -> memref<1x100xi32, #tpu.memory_space<vmem>>
        %dma_start3A_569 = tpu.memref_squeeze %dma_start3A_568 : memref<1x100xi32, #tpu.memory_space<vmem>> -> memref<100xi32, #tpu.memory_space<vmem>>
        %dma_start3A_570 = arith.constant 0 : i32
        %dma_start3A_571 = arith.constant 0 : i32
        %dma_start3A_572 = tpu.memref_slice %arg4[%dma_start3A_570, %dma_start3A_571] : memref<1000000x32xf32, #tpu.memory_space<hbm>> -> memref<1000000x32xf32, #tpu.memory_space<hbm>>
        tpu.enqueue_indirect_dma source(%dma_start3A_572 : memref<1000000x32xf32, #tpu.memory_space<hbm>>) target(%dma_start3A_566 : memref<100x32xf32, #tpu.memory_space<vmem>>) offsets(%dma_start3A_569 : memref<100xi32, #tpu.memory_space<vmem>>) semaphore(%arg15 : memref<!tpu.dma_semaphore, #tpu.memory_space<semaphore_mem>>)
      } else {
        %mul3A_493 = arith.constant 2 : i32
        %mul3A_494 = arith.muli %add3A_300, %mul3A_493 : i32
        %add3A_495 = arith.constant 0 : i32
        %add3A_496 = arith.addi %mul3A_494, %add3A_495 : i32
        %mul3A_497 = arith.constant 2 : i32
        %mul3A_498 = arith.muli %add3A_496, %mul3A_497 : i32
        %add3A_499 = arith.constant 0 : i32
        %add3A_500 = arith.addi %mul3A_498, %add3A_499 : i32
        %dma_start3A_501 = arith.constant 0 : i32
        %dma_start3A_502 = arith.constant 0 : i32
        %dma_start3A_503 = arith.constant 0 : i32
        %dma_start3A_504 = tpu.memref_slice %arg11[%dma_start3A_501, %dma_start3A_502, %dma_start3A_503] : memref<2x200x32xf32, #tpu.memory_space<vmem>> -> memref<1x100x32xf32, #tpu.memory_space<vmem>>
        %dma_start3A_505 = tpu.memref_squeeze %dma_start3A_504 : memref<1x100x32xf32, #tpu.memory_space<vmem>> -> memref<100x32xf32, #tpu.memory_space<vmem>>
        %dma_start3A_506 = arith.constant 0 : i32
        %dma_start3A_507 = tpu.memref_slice %arg6[%add3A_500, %dma_start3A_506] : memref<256x100xi32, #tpu.memory_space<vmem>> -> memref<1x100xi32, #tpu.memory_space<vmem>>
        %dma_start3A_508 = tpu.memref_squeeze %dma_start3A_507 : memref<1x100xi32, #tpu.memory_space<vmem>> -> memref<100xi32, #tpu.memory_space<vmem>>
        %dma_start3A_509 = arith.constant 0 : i32
        %dma_start3A_510 = arith.constant 0 : i32
        %dma_start3A_511 = tpu.memref_slice %arg4[%dma_start3A_509, %dma_start3A_510] : memref<1000000x32xf32, #tpu.memory_space<hbm>> -> memref<1000000x32xf32, #tpu.memory_space<hbm>>
        tpu.enqueue_indirect_dma source(%dma_start3A_511 : memref<1000000x32xf32, #tpu.memory_space<hbm>>) target(%dma_start3A_505 : memref<100x32xf32, #tpu.memory_space<vmem>>) offsets(%dma_start3A_508 : memref<100xi32, #tpu.memory_space<vmem>>) semaphore(%arg15 : memref<!tpu.dma_semaphore, #tpu.memory_space<semaphore_mem>>)
        %add3A_512 = arith.constant 0 : i32
        %add3A_513 = arith.addi %mul3A_494, %add3A_512 : i32
        %mul3A_514 = arith.constant 2 : i32
        %mul3A_515 = arith.muli %add3A_513, %mul3A_514 : i32
        %add3A_516 = arith.constant 1 : i32
        %add3A_517 = arith.addi %mul3A_515, %add3A_516 : i32
        %dma_start3A_518 = arith.constant 0 : i32
        %dma_start3A_519 = arith.constant 100 : i32
        %dma_start3A_520 = arith.constant 0 : i32
        %dma_start3A_521 = tpu.memref_slice %arg11[%dma_start3A_518, %dma_start3A_519, %dma_start3A_520] : memref<2x200x32xf32, #tpu.memory_space<vmem>> -> memref<1x100x32xf32, #tpu.memory_space<vmem>>
        %dma_start3A_522 = tpu.memref_squeeze %dma_start3A_521 : memref<1x100x32xf32, #tpu.memory_space<vmem>> -> memref<100x32xf32, #tpu.memory_space<vmem>>
        %dma_start3A_523 = arith.constant 0 : i32
        %dma_start3A_524 = tpu.memref_slice %arg6[%add3A_517, %dma_start3A_523] : memref<256x100xi32, #tpu.memory_space<vmem>> -> memref<1x100xi32, #tpu.memory_space<vmem>>
        %dma_start3A_525 = tpu.memref_squeeze %dma_start3A_524 : memref<1x100xi32, #tpu.memory_space<vmem>> -> memref<100xi32, #tpu.memory_space<vmem>>
        %dma_start3A_526 = arith.constant 0 : i32
        %dma_start3A_527 = arith.constant 0 : i32
        %dma_start3A_528 = tpu.memref_slice %arg4[%dma_start3A_526, %dma_start3A_527] : memref<1000000x32xf32, #tpu.memory_space<hbm>> -> memref<1000000x32xf32, #tpu.memory_space<hbm>>
        tpu.enqueue_indirect_dma source(%dma_start3A_528 : memref<1000000x32xf32, #tpu.memory_space<hbm>>) target(%dma_start3A_522 : memref<100x32xf32, #tpu.memory_space<vmem>>) offsets(%dma_start3A_525 : memref<100xi32, #tpu.memory_space<vmem>>) semaphore(%arg15 : memref<!tpu.dma_semaphore, #tpu.memory_space<semaphore_mem>>)
        %add3A_529 = arith.constant 1 : i32
        %add3A_530 = arith.addi %mul3A_494, %add3A_529 : i32
        %mul3A_531 = arith.constant 2 : i32
        %mul3A_532 = arith.muli %add3A_530, %mul3A_531 : i32
        %add3A_533 = arith.constant 0 : i32
        %add3A_534 = arith.addi %mul3A_532, %add3A_533 : i32
        %dma_start3A_535 = arith.constant 1 : i32
        %dma_start3A_536 = arith.constant 0 : i32
        %dma_start3A_537 = arith.constant 0 : i32
        %dma_start3A_538 = tpu.memref_slice %arg11[%dma_start3A_535, %dma_start3A_536, %dma_start3A_537] : memref<2x200x32xf32, #tpu.memory_space<vmem>> -> memref<1x100x32xf32, #tpu.memory_space<vmem>>
        %dma_start3A_539 = tpu.memref_squeeze %dma_start3A_538 : memref<1x100x32xf32, #tpu.memory_space<vmem>> -> memref<100x32xf32, #tpu.memory_space<vmem>>
        %dma_start3A_540 = arith.constant 0 : i32
        %dma_start3A_541 = tpu.memref_slice %arg6[%add3A_534, %dma_start3A_540] : memref<256x100xi32, #tpu.memory_space<vmem>> -> memref<1x100xi32, #tpu.memory_space<vmem>>
        %dma_start3A_542 = tpu.memref_squeeze %dma_start3A_541 : memref<1x100xi32, #tpu.memory_space<vmem>> -> memref<100xi32, #tpu.memory_space<vmem>>
        %dma_start3A_543 = arith.constant 0 : i32
        %dma_start3A_544 = arith.constant 0 : i32
        %dma_start3A_545 = tpu.memref_slice %arg4[%dma_start3A_543, %dma_start3A_544] : memref<1000000x32xf32, #tpu.memory_space<hbm>> -> memref<1000000x32xf32, #tpu.memory_space<hbm>>
        tpu.enqueue_indirect_dma source(%dma_start3A_545 : memref<1000000x32xf32, #tpu.memory_space<hbm>>) target(%dma_start3A_539 : memref<100x32xf32, #tpu.memory_space<vmem>>) offsets(%dma_start3A_542 : memref<100xi32, #tpu.memory_space<vmem>>) semaphore(%arg15 : memref<!tpu.dma_semaphore, #tpu.memory_space<semaphore_mem>>)
        %add3A_546 = arith.constant 1 : i32
        %add3A_547 = arith.addi %mul3A_494, %add3A_546 : i32
        %mul3A_548 = arith.constant 2 : i32
        %mul3A_549 = arith.muli %add3A_547, %mul3A_548 : i32
        %add3A_550 = arith.constant 1 : i32
        %add3A_551 = arith.addi %mul3A_549, %add3A_550 : i32
        %dma_start3A_552 = arith.constant 1 : i32
        %dma_start3A_553 = arith.constant 100 : i32
        %dma_start3A_554 = arith.constant 0 : i32
        %dma_start3A_555 = tpu.memref_slice %arg11[%dma_start3A_552, %dma_start3A_553, %dma_start3A_554] : memref<2x200x32xf32, #tpu.memory_space<vmem>> -> memref<1x100x32xf32, #tpu.memory_space<vmem>>
        %dma_start3A_556 = tpu.memref_squeeze %dma_start3A_555 : memref<1x100x32xf32, #tpu.memory_space<vmem>> -> memref<100x32xf32, #tpu.memory_space<vmem>>
        %dma_start3A_557 = arith.constant 0 : i32
        %dma_start3A_558 = tpu.memref_slice %arg6[%add3A_551, %dma_start3A_557] : memref<256x100xi32, #tpu.memory_space<vmem>> -> memref<1x100xi32, #tpu.memory_space<vmem>>
        %dma_start3A_559 = tpu.memref_squeeze %dma_start3A_558 : memref<1x100xi32, #tpu.memory_space<vmem>> -> memref<100xi32, #tpu.memory_space<vmem>>
        %dma_start3A_560 = arith.constant 0 : i32
        %dma_start3A_561 = arith.constant 0 : i32
        %dma_start3A_562 = tpu.memref_slice %arg4[%dma_start3A_560, %dma_start3A_561] : memref<1000000x32xf32, #tpu.memory_space<hbm>> -> memref<1000000x32xf32, #tpu.memory_space<hbm>>
        tpu.enqueue_indirect_dma source(%dma_start3A_562 : memref<1000000x32xf32, #tpu.memory_space<hbm>>) target(%dma_start3A_556 : memref<100x32xf32, #tpu.memory_space<vmem>>) offsets(%dma_start3A_559 : memref<100xi32, #tpu.memory_space<vmem>>) semaphore(%arg15 : memref<!tpu.dma_semaphore, #tpu.memory_space<semaphore_mem>>)
      }
      %add3A_306 = arith.constant 2 : i32
      %add3A_307 = arith.addi %mul3A_120, %add3A_306 : i32
      %mul3A_308 = arith.constant 2 : i32
      %mul3A_309 = arith.muli %add3A_307, %mul3A_308 : i32
      %add3A_310 = arith.constant 0 : i32
      %add3A_311 = arith.addi %mul3A_309, %add3A_310 : i32
      %mul3A_312 = arith.constant 2 : i32
      %mul3A_313 = arith.muli %add3A_311, %mul3A_312 : i32
      %add3A_314 = arith.constant 0 : i32
      %add3A_315 = arith.addi %mul3A_313, %add3A_314 : i32
      %dma_wait3A_316 = arith.constant 0 : i32
      %dma_wait3A_317 = arith.constant 0 : i32
      %dma_wait3A_318 = arith.constant 0 : i32
      %dma_wait3A_319 = tpu.memref_slice %arg10[%dma_wait3A_316, %dma_wait3A_317, %dma_wait3A_318] : memref<2x200x32xf32, #tpu.memory_space<vmem>> -> memref<1x100x32xf32, #tpu.memory_space<vmem>>
      %dma_wait3A_320 = tpu.memref_squeeze %dma_wait3A_319 : memref<1x100x32xf32, #tpu.memory_space<vmem>> -> memref<100x32xf32, #tpu.memory_space<vmem>>
      %dma_wait3A_321 = arith.constant 0 : i32
      %dma_wait3A_322 = tpu.memref_slice %arg6[%add3A_315, %dma_wait3A_321] : memref<256x100xi32, #tpu.memory_space<vmem>> -> memref<1x100xi32, #tpu.memory_space<vmem>>
      %dma_wait3A_323 = tpu.memref_squeeze %dma_wait3A_322 : memref<1x100xi32, #tpu.memory_space<vmem>> -> memref<100xi32, #tpu.memory_space<vmem>>
      %dma_wait3A_324 = arith.constant 0 : i32
      %dma_wait3A_325 = arith.constant 0 : i32
      %dma_wait3A_326 = tpu.memref_slice %arg4[%dma_wait3A_324, %dma_wait3A_325] : memref<1000000x32xf32, #tpu.memory_space<hbm>> -> memref<1000000x32xf32, #tpu.memory_space<hbm>>
      tpu.wait_indirect_dma semaphore(%arg14 : memref<!tpu.dma_semaphore, #tpu.memory_space<semaphore_mem>>) src(%dma_wait3A_326 : memref<1000000x32xf32, #tpu.memory_space<hbm>>) dst(%dma_wait3A_320 : memref<100x32xf32, #tpu.memory_space<vmem>>)
      %add3A_327 = arith.constant 0 : i32
      %add3A_328 = arith.addi %mul3A_309, %add3A_327 : i32
      %mul3A_329 = arith.constant 2 : i32
      %mul3A_330 = arith.muli %add3A_328, %mul3A_329 : i32
      %add3A_331 = arith.constant 1 : i32
      %add3A_332 = arith.addi %mul3A_330, %add3A_331 : i32
      %dma_wait3A_333 = arith.constant 0 : i32
      %dma_wait3A_334 = arith.constant 100 : i32
      %dma_wait3A_335 = arith.constant 0 : i32
      %dma_wait3A_336 = tpu.memref_slice %arg10[%dma_wait3A_333, %dma_wait3A_334, %dma_wait3A_335] : memref<2x200x32xf32, #tpu.memory_space<vmem>> -> memref<1x100x32xf32, #tpu.memory_space<vmem>>
      %dma_wait3A_337 = tpu.memref_squeeze %dma_wait3A_336 : memref<1x100x32xf32, #tpu.memory_space<vmem>> -> memref<100x32xf32, #tpu.memory_space<vmem>>
      %dma_wait3A_338 = arith.constant 0 : i32
      %dma_wait3A_339 = tpu.memref_slice %arg6[%add3A_332, %dma_wait3A_338] : memref<256x100xi32, #tpu.memory_space<vmem>> -> memref<1x100xi32, #tpu.memory_space<vmem>>
      %dma_wait3A_340 = tpu.memref_squeeze %dma_wait3A_339 : memref<1x100xi32, #tpu.memory_space<vmem>> -> memref<100xi32, #tpu.memory_space<vmem>>
      %dma_wait3A_341 = arith.constant 0 : i32
      %dma_wait3A_342 = arith.constant 0 : i32
      %dma_wait3A_343 = tpu.memref_slice %arg4[%dma_wait3A_341, %dma_wait3A_342] : memref<1000000x32xf32, #tpu.memory_space<hbm>> -> memref<1000000x32xf32, #tpu.memory_space<hbm>>
      tpu.wait_indirect_dma semaphore(%arg14 : memref<!tpu.dma_semaphore, #tpu.memory_space<semaphore_mem>>) src(%dma_wait3A_343 : memref<1000000x32xf32, #tpu.memory_space<hbm>>) dst(%dma_wait3A_337 : memref<100x32xf32, #tpu.memory_space<vmem>>)
      %add3A_344 = arith.constant 1 : i32
      %add3A_345 = arith.addi %mul3A_309, %add3A_344 : i32
      %mul3A_346 = arith.constant 2 : i32
      %mul3A_347 = arith.muli %add3A_345, %mul3A_346 : i32
      %add3A_348 = arith.constant 0 : i32
      %add3A_349 = arith.addi %mul3A_347, %add3A_348 : i32
      %dma_wait3A_350 = arith.constant 1 : i32
      %dma_wait3A_351 = arith.constant 0 : i32
      %dma_wait3A_352 = arith.constant 0 : i32
      %dma_wait3A_353 = tpu.memref_slice %arg10[%dma_wait3A_350, %dma_wait3A_351, %dma_wait3A_352] : memref<2x200x32xf32, #tpu.memory_space<vmem>> -> memref<1x100x32xf32, #tpu.memory_space<vmem>>
      %dma_wait3A_354 = tpu.memref_squeeze %dma_wait3A_353 : memref<1x100x32xf32, #tpu.memory_space<vmem>> -> memref<100x32xf32, #tpu.memory_space<vmem>>
      %dma_wait3A_355 = arith.constant 0 : i32
      %dma_wait3A_356 = tpu.memref_slice %arg6[%add3A_349, %dma_wait3A_355] : memref<256x100xi32, #tpu.memory_space<vmem>> -> memref<1x100xi32, #tpu.memory_space<vmem>>
      %dma_wait3A_357 = tpu.memref_squeeze %dma_wait3A_356 : memref<1x100xi32, #tpu.memory_space<vmem>> -> memref<100xi32, #tpu.memory_space<vmem>>
      %dma_wait3A_358 = arith.constant 0 : i32
      %dma_wait3A_359 = arith.constant 0 : i32
      %dma_wait3A_360 = tpu.memref_slice %arg4[%dma_wait3A_358, %dma_wait3A_359] : memref<1000000x32xf32, #tpu.memory_space<hbm>> -> memref<1000000x32xf32, #tpu.memory_space<hbm>>
      tpu.wait_indirect_dma semaphore(%arg14 : memref<!tpu.dma_semaphore, #tpu.memory_space<semaphore_mem>>) src(%dma_wait3A_360 : memref<1000000x32xf32, #tpu.memory_space<hbm>>) dst(%dma_wait3A_354 : memref<100x32xf32, #tpu.memory_space<vmem>>)
      %add3A_361 = arith.constant 1 : i32
      %add3A_362 = arith.addi %mul3A_309, %add3A_361 : i32
      %mul3A_363 = arith.constant 2 : i32
      %mul3A_364 = arith.muli %add3A_362, %mul3A_363 : i32
      %add3A_365 = arith.constant 1 : i32
      %add3A_366 = arith.addi %mul3A_364, %add3A_365 : i32
      %dma_wait3A_367 = arith.constant 1 : i32
      %dma_wait3A_368 = arith.constant 100 : i32
      %dma_wait3A_369 = arith.constant 0 : i32
      %dma_wait3A_370 = tpu.memref_slice %arg10[%dma_wait3A_367, %dma_wait3A_368, %dma_wait3A_369] : memref<2x200x32xf32, #tpu.memory_space<vmem>> -> memref<1x100x32xf32, #tpu.memory_space<vmem>>
      %dma_wait3A_371 = tpu.memref_squeeze %dma_wait3A_370 : memref<1x100x32xf32, #tpu.memory_space<vmem>> -> memref<100x32xf32, #tpu.memory_space<vmem>>
      %dma_wait3A_372 = arith.constant 0 : i32
      %dma_wait3A_373 = tpu.memref_slice %arg6[%add3A_366, %dma_wait3A_372] : memref<256x100xi32, #tpu.memory_space<vmem>> -> memref<1x100xi32, #tpu.memory_space<vmem>>
      %dma_wait3A_374 = tpu.memref_squeeze %dma_wait3A_373 : memref<1x100xi32, #tpu.memory_space<vmem>> -> memref<100xi32, #tpu.memory_space<vmem>>
      %dma_wait3A_375 = arith.constant 0 : i32
      %dma_wait3A_376 = arith.constant 0 : i32
      %dma_wait3A_377 = tpu.memref_slice %arg4[%dma_wait3A_375, %dma_wait3A_376] : memref<1000000x32xf32, #tpu.memory_space<hbm>> -> memref<1000000x32xf32, #tpu.memory_space<hbm>>
      tpu.wait_indirect_dma semaphore(%arg14 : memref<!tpu.dma_semaphore, #tpu.memory_space<semaphore_mem>>) src(%dma_wait3A_377 : memref<1000000x32xf32, #tpu.memory_space<hbm>>) dst(%dma_wait3A_371 : memref<100x32xf32, #tpu.memory_space<vmem>>)
      %scan3A_378 = arith.constant 0 : i32
      %scan3A_379 = arith.constant 0 : i32
      %scan3A_380 = arith.constant 200 : i32
      %scan3A_381 = arith.addi %scan3A_379, %scan3A_380 : i32
      %scan3A_382 = arith.constant 1 : i32
      scf.for %scan3A_493 = %scan3A_379 to %scan3A_381 step %scan3A_382  : i32 {
        %get3A = arith.index_cast %scan3A_493 : i32 to index
        %get3A_494 = arith.constant 0 : index
        %get3A_495 = tpu.vector_load %arg7[%get3A, %get3A_494] {strides = array<i32>} : memref<200x32xf32, #tpu.memory_space<vmem>>, vector<1x16xf32>,
        %get3A_496 = vector.shape_cast %get3A_495 : vector<1x16xf32> to vector<16xf32>
        %get3A_497 = arith.index_cast %scan3A_493 : i32 to index
        %get3A_498 = arith.constant 16 : index
        %get3A_499 = tpu.vector_load %arg7[%get3A_497, %get3A_498] {strides = array<i32>} : memref<200x32xf32, #tpu.memory_space<vmem>>, vector<1x16xf32>,
        %get3A_500 = vector.shape_cast %get3A_499 : vector<1x16xf32> to vector<16xf32>
        %swap3A = arith.constant 0 : i32
        %swap3A_501 = arith.index_cast %swap3A : i32 to index
        %swap3A_502 = arith.index_cast %scan3A_493 : i32 to index
        %swap3A_503 = arith.constant 0 : index
        %swap3A_504 = tpu.vector_load %arg10[%swap3A_501, %swap3A_502, %swap3A_503] {strides = array<i32>} : memref<2x200x32xf32, #tpu.memory_space<vmem>>, vector<1x1x16xf32>,
        %swap3A_505 = vector.shape_cast %swap3A_504 : vector<1x1x16xf32> to vector<16xf32>
        %swap3A_506 = vector.shape_cast %get3A_496 : vector<16xf32> to vector<1x1x16xf32>
        tpu.vector_store %arg10[%swap3A_501, %swap3A_502, %swap3A_503], %swap3A_506 {add = true, strides = array<i32>} : memref<2x200x32xf32, #tpu.memory_space<vmem>>, vector<1x1x16xf32>,
        %swap3A_507 = arith.constant 0 : i32
        %swap3A_508 = arith.index_cast %swap3A_507 : i32 to index
        %swap3A_509 = arith.index_cast %scan3A_493 : i32 to index
        %swap3A_510 = arith.constant 16 : index
        %swap3A_511 = tpu.vector_load %arg10[%swap3A_508, %swap3A_509, %swap3A_510] {strides = array<i32>} : memref<2x200x32xf32, #tpu.memory_space<vmem>>, vector<1x1x16xf32>,
        %swap3A_512 = vector.shape_cast %swap3A_511 : vector<1x1x16xf32> to vector<16xf32>
        %swap3A_513 = vector.shape_cast %get3A_500 : vector<16xf32> to vector<1x1x16xf32>
        tpu.vector_store %arg10[%swap3A_508, %swap3A_509, %swap3A_510], %swap3A_513 {add = true, strides = array<i32>} : memref<2x200x32xf32, #tpu.memory_space<vmem>>, vector<1x1x16xf32>,
        %swap3A_514 = arith.constant 1 : i32
        %swap3A_515 = arith.index_cast %swap3A_514 : i32 to index
        %swap3A_516 = arith.index_cast %scan3A_493 : i32 to index
        %swap3A_517 = arith.constant 0 : index
        %swap3A_518 = tpu.vector_load %arg10[%swap3A_515, %swap3A_516, %swap3A_517] {strides = array<i32>} : memref<2x200x32xf32, #tpu.memory_space<vmem>>, vector<1x1x16xf32>,
        %swap3A_519 = vector.shape_cast %swap3A_518 : vector<1x1x16xf32> to vector<16xf32>
        %swap3A_520 = vector.shape_cast %get3A_496 : vector<16xf32> to vector<1x1x16xf32>
        tpu.vector_store %arg10[%swap3A_515, %swap3A_516, %swap3A_517], %swap3A_520 {add = true, strides = array<i32>} : memref<2x200x32xf32, #tpu.memory_space<vmem>>, vector<1x1x16xf32>,
        %swap3A_521 = arith.constant 1 : i32
        %swap3A_522 = arith.index_cast %swap3A_521 : i32 to index
        %swap3A_523 = arith.index_cast %scan3A_493 : i32 to index
        %swap3A_524 = arith.constant 16 : index
        %swap3A_525 = tpu.vector_load %arg10[%swap3A_522, %swap3A_523, %swap3A_524] {strides = array<i32>} : memref<2x200x32xf32, #tpu.memory_space<vmem>>, vector<1x1x16xf32>,
        %swap3A_526 = vector.shape_cast %swap3A_525 : vector<1x1x16xf32> to vector<16xf32>
        %swap3A_527 = vector.shape_cast %get3A_500 : vector<16xf32> to vector<1x1x16xf32>
        tpu.vector_store %arg10[%swap3A_522, %swap3A_523, %swap3A_524], %swap3A_527 {add = true, strides = array<i32>} : memref<2x200x32xf32, #tpu.memory_space<vmem>>, vector<1x1x16xf32>,
      }
      %scan3A_383 = arith.constant 200 : i32
      %mul3A_384 = arith.constant 2 : i32
      %mul3A_385 = arith.muli %add3A_307, %mul3A_384 : i32
      %add3A_386 = arith.addi %mul3A_2, %mul3A_385 : i32
      %dma_start3A_387 = arith.constant 0 : i32
      %dma_start3A_388 = arith.constant 0 : i32
      %dma_start3A_389 = tpu.memref_slice %arg5[%add3A_386, %dma_start3A_387, %dma_start3A_388] : memref<4096x200x32xf32, #tpu.memory_space<hbm>> -> memref<2x200x32xf32, #tpu.memory_space<hbm>>
      %dma_start3A_390 = arith.constant 0 : i32
      %dma_start3A_391 = arith.constant 0 : i32
      %dma_start3A_392 = tpu.memref_slice %arg5[%add3A_386, %dma_start3A_390, %dma_start3A_391] : memref<4096x200x32xf32, #tpu.memory_space<hbm>> -> memref<2x200x32xf32, #tpu.memory_space<hbm>>
      tpu.enqueue_dma source(%arg10 : memref<2x200x32xf32, #tpu.memory_space<vmem>>) target(%dma_start3A_392 : memref<2x200x32xf32, #tpu.memory_space<hbm>>) target_semaphore(%arg18 : memref<!tpu.dma_semaphore, #tpu.memory_space<semaphore_mem>>)
      %add3A_393 = arith.constant 2 : i32
      %add3A_394 = arith.addi %add3A_307, %add3A_393 : i32
      %lt3A = arith.constant 15 : i32
      %lt3A_395 = arith.cmpi slt, %scan3A_118, %lt3A : i32
      %convert_element_type3A_396 = arith.extui %lt3A_395 : i1 to i32
      %cond3A_397 = arith.constant 0 : i32
      %cond3A_398 = arith.cmpi ne, %convert_element_type3A_396, %cond3A_397 : i32
      scf.if %cond3A_398 {
        %sub3A = arith.constant 4 : i32
        %sub3A_493 = arith.subi %add3A_394, %sub3A : i32
        %mul3A_494 = arith.constant 2 : i32
        %mul3A_495 = arith.muli %sub3A_493, %mul3A_494 : i32
        %add3A_496 = arith.addi %mul3A_2, %mul3A_495 : i32
        %dma_wait3A_497 = arith.constant 0 : i32
        %dma_wait3A_498 = arith.constant 0 : i32
        %dma_wait3A_499 = tpu.memref_slice %arg5[%add3A_496, %dma_wait3A_497, %dma_wait3A_498] : memref<4096x200x32xf32, #tpu.memory_space<hbm>> -> memref<2x200x32xf32, #tpu.memory_space<hbm>>
        %dma_wait3A_500 = arith.constant 0 : i32
        %dma_wait3A_501 = arith.constant 0 : i32
        %dma_wait3A_502 = tpu.memref_slice %arg5[%add3A_496, %dma_wait3A_500, %dma_wait3A_501] : memref<4096x200x32xf32, #tpu.memory_space<hbm>> -> memref<2x200x32xf32, #tpu.memory_space<hbm>>
        tpu.wait_dma2 semaphore(%arg16 : memref<!tpu.dma_semaphore, #tpu.memory_space<semaphore_mem>>) src(%arg8 : memref<2x200x32xf32, #tpu.memory_space<vmem>>) dst(%dma_wait3A_502 : memref<2x200x32xf32, #tpu.memory_space<hbm>>)
        %mul3A_503 = arith.constant 2 : i32
        %mul3A_504 = arith.muli %add3A_394, %mul3A_503 : i32
        %add3A_505 = arith.constant 0 : i32
        %add3A_506 = arith.addi %mul3A_504, %add3A_505 : i32
        %mul3A_507 = arith.constant 2 : i32
        %mul3A_508 = arith.muli %add3A_506, %mul3A_507 : i32
        %add3A_509 = arith.constant 0 : i32
        %add3A_510 = arith.addi %mul3A_508, %add3A_509 : i32
        %dma_start3A_511 = arith.constant 0 : i32
        %dma_start3A_512 = arith.constant 0 : i32
        %dma_start3A_513 = arith.constant 0 : i32
        %dma_start3A_514 = tpu.memref_slice %arg8[%dma_start3A_511, %dma_start3A_512, %dma_start3A_513] : memref<2x200x32xf32, #tpu.memory_space<vmem>> -> memref<1x100x32xf32, #tpu.memory_space<vmem>>
        %dma_start3A_515 = tpu.memref_squeeze %dma_start3A_514 : memref<1x100x32xf32, #tpu.memory_space<vmem>> -> memref<100x32xf32, #tpu.memory_space<vmem>>
        %dma_start3A_516 = arith.constant 0 : i32
        %dma_start3A_517 = tpu.memref_slice %arg6[%add3A_510, %dma_start3A_516] : memref<256x100xi32, #tpu.memory_space<vmem>> -> memref<1x100xi32, #tpu.memory_space<vmem>>
        %dma_start3A_518 = tpu.memref_squeeze %dma_start3A_517 : memref<1x100xi32, #tpu.memory_space<vmem>> -> memref<100xi32, #tpu.memory_space<vmem>>
        %dma_start3A_519 = arith.constant 0 : i32
        %dma_start3A_520 = arith.constant 0 : i32
        %dma_start3A_521 = tpu.memref_slice %arg4[%dma_start3A_519, %dma_start3A_520] : memref<1000000x32xf32, #tpu.memory_space<hbm>> -> memref<1000000x32xf32, #tpu.memory_space<hbm>>
        tpu.enqueue_indirect_dma source(%dma_start3A_521 : memref<1000000x32xf32, #tpu.memory_space<hbm>>) target(%dma_start3A_515 : memref<100x32xf32, #tpu.memory_space<vmem>>) offsets(%dma_start3A_518 : memref<100xi32, #tpu.memory_space<vmem>>) semaphore(%arg12 : memref<!tpu.dma_semaphore, #tpu.memory_space<semaphore_mem>>)
        %add3A_522 = arith.constant 0 : i32
        %add3A_523 = arith.addi %mul3A_504, %add3A_522 : i32
        %mul3A_524 = arith.constant 2 : i32
        %mul3A_525 = arith.muli %add3A_523, %mul3A_524 : i32
        %add3A_526 = arith.constant 1 : i32
        %add3A_527 = arith.addi %mul3A_525, %add3A_526 : i32
        %dma_start3A_528 = arith.constant 0 : i32
        %dma_start3A_529 = arith.constant 100 : i32
        %dma_start3A_530 = arith.constant 0 : i32
        %dma_start3A_531 = tpu.memref_slice %arg8[%dma_start3A_528, %dma_start3A_529, %dma_start3A_530] : memref<2x200x32xf32, #tpu.memory_space<vmem>> -> memref<1x100x32xf32, #tpu.memory_space<vmem>>
        %dma_start3A_532 = tpu.memref_squeeze %dma_start3A_531 : memref<1x100x32xf32, #tpu.memory_space<vmem>> -> memref<100x32xf32, #tpu.memory_space<vmem>>
        %dma_start3A_533 = arith.constant 0 : i32
        %dma_start3A_534 = tpu.memref_slice %arg6[%add3A_527, %dma_start3A_533] : memref<256x100xi32, #tpu.memory_space<vmem>> -> memref<1x100xi32, #tpu.memory_space<vmem>>
        %dma_start3A_535 = tpu.memref_squeeze %dma_start3A_534 : memref<1x100xi32, #tpu.memory_space<vmem>> -> memref<100xi32, #tpu.memory_space<vmem>>
        %dma_start3A_536 = arith.constant 0 : i32
        %dma_start3A_537 = arith.constant 0 : i32
        %dma_start3A_538 = tpu.memref_slice %arg4[%dma_start3A_536, %dma_start3A_537] : memref<1000000x32xf32, #tpu.memory_space<hbm>> -> memref<1000000x32xf32, #tpu.memory_space<hbm>>
        tpu.enqueue_indirect_dma source(%dma_start3A_538 : memref<1000000x32xf32, #tpu.memory_space<hbm>>) target(%dma_start3A_532 : memref<100x32xf32, #tpu.memory_space<vmem>>) offsets(%dma_start3A_535 : memref<100xi32, #tpu.memory_space<vmem>>) semaphore(%arg12 : memref<!tpu.dma_semaphore, #tpu.memory_space<semaphore_mem>>)
        %add3A_539 = arith.constant 1 : i32
        %add3A_540 = arith.addi %mul3A_504, %add3A_539 : i32
        %mul3A_541 = arith.constant 2 : i32
        %mul3A_542 = arith.muli %add3A_540, %mul3A_541 : i32
        %add3A_543 = arith.constant 0 : i32
        %add3A_544 = arith.addi %mul3A_542, %add3A_543 : i32
        %dma_start3A_545 = arith.constant 1 : i32
        %dma_start3A_546 = arith.constant 0 : i32
        %dma_start3A_547 = arith.constant 0 : i32
        %dma_start3A_548 = tpu.memref_slice %arg8[%dma_start3A_545, %dma_start3A_546, %dma_start3A_547] : memref<2x200x32xf32, #tpu.memory_space<vmem>> -> memref<1x100x32xf32, #tpu.memory_space<vmem>>
        %dma_start3A_549 = tpu.memref_squeeze %dma_start3A_548 : memref<1x100x32xf32, #tpu.memory_space<vmem>> -> memref<100x32xf32, #tpu.memory_space<vmem>>
        %dma_start3A_550 = arith.constant 0 : i32
        %dma_start3A_551 = tpu.memref_slice %arg6[%add3A_544, %dma_start3A_550] : memref<256x100xi32, #tpu.memory_space<vmem>> -> memref<1x100xi32, #tpu.memory_space<vmem>>
        %dma_start3A_552 = tpu.memref_squeeze %dma_start3A_551 : memref<1x100xi32, #tpu.memory_space<vmem>> -> memref<100xi32, #tpu.memory_space<vmem>>
        %dma_start3A_553 = arith.constant 0 : i32
        %dma_start3A_554 = arith.constant 0 : i32
        %dma_start3A_555 = tpu.memref_slice %arg4[%dma_start3A_553, %dma_start3A_554] : memref<1000000x32xf32, #tpu.memory_space<hbm>> -> memref<1000000x32xf32, #tpu.memory_space<hbm>>
        tpu.enqueue_indirect_dma source(%dma_start3A_555 : memref<1000000x32xf32, #tpu.memory_space<hbm>>) target(%dma_start3A_549 : memref<100x32xf32, #tpu.memory_space<vmem>>) offsets(%dma_start3A_552 : memref<100xi32, #tpu.memory_space<vmem>>) semaphore(%arg12 : memref<!tpu.dma_semaphore, #tpu.memory_space<semaphore_mem>>)
        %add3A_556 = arith.constant 1 : i32
        %add3A_557 = arith.addi %mul3A_504, %add3A_556 : i32
        %mul3A_558 = arith.constant 2 : i32
        %mul3A_559 = arith.muli %add3A_557, %mul3A_558 : i32
        %add3A_560 = arith.constant 1 : i32
        %add3A_561 = arith.addi %mul3A_559, %add3A_560 : i32
        %dma_start3A_562 = arith.constant 1 : i32
        %dma_start3A_563 = arith.constant 100 : i32
        %dma_start3A_564 = arith.constant 0 : i32
        %dma_start3A_565 = tpu.memref_slice %arg8[%dma_start3A_562, %dma_start3A_563, %dma_start3A_564] : memref<2x200x32xf32, #tpu.memory_space<vmem>> -> memref<1x100x32xf32, #tpu.memory_space<vmem>>
        %dma_start3A_566 = tpu.memref_squeeze %dma_start3A_565 : memref<1x100x32xf32, #tpu.memory_space<vmem>> -> memref<100x32xf32, #tpu.memory_space<vmem>>
        %dma_start3A_567 = arith.constant 0 : i32
        %dma_start3A_568 = tpu.memref_slice %arg6[%add3A_561, %dma_start3A_567] : memref<256x100xi32, #tpu.memory_space<vmem>> -> memref<1x100xi32, #tpu.memory_space<vmem>>
        %dma_start3A_569 = tpu.memref_squeeze %dma_start3A_568 : memref<1x100xi32, #tpu.memory_space<vmem>> -> memref<100xi32, #tpu.memory_space<vmem>>
        %dma_start3A_570 = arith.constant 0 : i32
        %dma_start3A_571 = arith.constant 0 : i32
        %dma_start3A_572 = tpu.memref_slice %arg4[%dma_start3A_570, %dma_start3A_571] : memref<1000000x32xf32, #tpu.memory_space<hbm>> -> memref<1000000x32xf32, #tpu.memory_space<hbm>>
        tpu.enqueue_indirect_dma source(%dma_start3A_572 : memref<1000000x32xf32, #tpu.memory_space<hbm>>) target(%dma_start3A_566 : memref<100x32xf32, #tpu.memory_space<vmem>>) offsets(%dma_start3A_569 : memref<100xi32, #tpu.memory_space<vmem>>) semaphore(%arg12 : memref<!tpu.dma_semaphore, #tpu.memory_space<semaphore_mem>>)
      } else {
        %sub3A = arith.constant 4 : i32
        %sub3A_493 = arith.subi %add3A_394, %sub3A : i32
        %mul3A_494 = arith.constant 2 : i32
        %mul3A_495 = arith.muli %sub3A_493, %mul3A_494 : i32
        %add3A_496 = arith.addi %mul3A_2, %mul3A_495 : i32
        %dma_wait3A_497 = arith.constant 0 : i32
        %dma_wait3A_498 = arith.constant 0 : i32
        %dma_wait3A_499 = tpu.memref_slice %arg5[%add3A_496, %dma_wait3A_497, %dma_wait3A_498] : memref<4096x200x32xf32, #tpu.memory_space<hbm>> -> memref<2x200x32xf32, #tpu.memory_space<hbm>>
        %dma_wait3A_500 = arith.constant 0 : i32
        %dma_wait3A_501 = arith.constant 0 : i32
        %dma_wait3A_502 = tpu.memref_slice %arg5[%add3A_496, %dma_wait3A_500, %dma_wait3A_501] : memref<4096x200x32xf32, #tpu.memory_space<hbm>> -> memref<2x200x32xf32, #tpu.memory_space<hbm>>
        tpu.wait_dma2 semaphore(%arg16 : memref<!tpu.dma_semaphore, #tpu.memory_space<semaphore_mem>>) src(%arg8 : memref<2x200x32xf32, #tpu.memory_space<vmem>>) dst(%dma_wait3A_502 : memref<2x200x32xf32, #tpu.memory_space<hbm>>)
      }
      %add3A_399 = arith.constant 3 : i32
      %add3A_400 = arith.addi %mul3A_120, %add3A_399 : i32
      %mul3A_401 = arith.constant 2 : i32
      %mul3A_402 = arith.muli %add3A_400, %mul3A_401 : i32
      %add3A_403 = arith.constant 0 : i32
      %add3A_404 = arith.addi %mul3A_402, %add3A_403 : i32
      %mul3A_405 = arith.constant 2 : i32
      %mul3A_406 = arith.muli %add3A_404, %mul3A_405 : i32
      %add3A_407 = arith.constant 0 : i32
      %add3A_408 = arith.addi %mul3A_406, %add3A_407 : i32
      %dma_wait3A_409 = arith.constant 0 : i32
      %dma_wait3A_410 = arith.constant 0 : i32
      %dma_wait3A_411 = arith.constant 0 : i32
      %dma_wait3A_412 = tpu.memref_slice %arg11[%dma_wait3A_409, %dma_wait3A_410, %dma_wait3A_411] : memref<2x200x32xf32, #tpu.memory_space<vmem>> -> memref<1x100x32xf32, #tpu.memory_space<vmem>>
      %dma_wait3A_413 = tpu.memref_squeeze %dma_wait3A_412 : memref<1x100x32xf32, #tpu.memory_space<vmem>> -> memref<100x32xf32, #tpu.memory_space<vmem>>
      %dma_wait3A_414 = arith.constant 0 : i32
      %dma_wait3A_415 = tpu.memref_slice %arg6[%add3A_408, %dma_wait3A_414] : memref<256x100xi32, #tpu.memory_space<vmem>> -> memref<1x100xi32, #tpu.memory_space<vmem>>
      %dma_wait3A_416 = tpu.memref_squeeze %dma_wait3A_415 : memref<1x100xi32, #tpu.memory_space<vmem>> -> memref<100xi32, #tpu.memory_space<vmem>>
      %dma_wait3A_417 = arith.constant 0 : i32
      %dma_wait3A_418 = arith.constant 0 : i32
      %dma_wait3A_419 = tpu.memref_slice %arg4[%dma_wait3A_417, %dma_wait3A_418] : memref<1000000x32xf32, #tpu.memory_space<hbm>> -> memref<1000000x32xf32, #tpu.memory_space<hbm>>
      tpu.wait_indirect_dma semaphore(%arg15 : memref<!tpu.dma_semaphore, #tpu.memory_space<semaphore_mem>>) src(%dma_wait3A_419 : memref<1000000x32xf32, #tpu.memory_space<hbm>>) dst(%dma_wait3A_413 : memref<100x32xf32, #tpu.memory_space<vmem>>)
      %add3A_420 = arith.constant 0 : i32
      %add3A_421 = arith.addi %mul3A_402, %add3A_420 : i32
      %mul3A_422 = arith.constant 2 : i32
      %mul3A_423 = arith.muli %add3A_421, %mul3A_422 : i32
      %add3A_424 = arith.constant 1 : i32
      %add3A_425 = arith.addi %mul3A_423, %add3A_424 : i32
      %dma_wait3A_426 = arith.constant 0 : i32
      %dma_wait3A_427 = arith.constant 100 : i32
      %dma_wait3A_428 = arith.constant 0 : i32
      %dma_wait3A_429 = tpu.memref_slice %arg11[%dma_wait3A_426, %dma_wait3A_427, %dma_wait3A_428] : memref<2x200x32xf32, #tpu.memory_space<vmem>> -> memref<1x100x32xf32, #tpu.memory_space<vmem>>
      %dma_wait3A_430 = tpu.memref_squeeze %dma_wait3A_429 : memref<1x100x32xf32, #tpu.memory_space<vmem>> -> memref<100x32xf32, #tpu.memory_space<vmem>>
      %dma_wait3A_431 = arith.constant 0 : i32
      %dma_wait3A_432 = tpu.memref_slice %arg6[%add3A_425, %dma_wait3A_431] : memref<256x100xi32, #tpu.memory_space<vmem>> -> memref<1x100xi32, #tpu.memory_space<vmem>>
      %dma_wait3A_433 = tpu.memref_squeeze %dma_wait3A_432 : memref<1x100xi32, #tpu.memory_space<vmem>> -> memref<100xi32, #tpu.memory_space<vmem>>
      %dma_wait3A_434 = arith.constant 0 : i32
      %dma_wait3A_435 = arith.constant 0 : i32
      %dma_wait3A_436 = tpu.memref_slice %arg4[%dma_wait3A_434, %dma_wait3A_435] : memref<1000000x32xf32, #tpu.memory_space<hbm>> -> memref<1000000x32xf32, #tpu.memory_space<hbm>>
      tpu.wait_indirect_dma semaphore(%arg15 : memref<!tpu.dma_semaphore, #tpu.memory_space<semaphore_mem>>) src(%dma_wait3A_436 : memref<1000000x32xf32, #tpu.memory_space<hbm>>) dst(%dma_wait3A_430 : memref<100x32xf32, #tpu.memory_space<vmem>>)
      %add3A_437 = arith.constant 1 : i32
      %add3A_438 = arith.addi %mul3A_402, %add3A_437 : i32
      %mul3A_439 = arith.constant 2 : i32
      %mul3A_440 = arith.muli %add3A_438, %mul3A_439 : i32
      %add3A_441 = arith.constant 0 : i32
      %add3A_442 = arith.addi %mul3A_440, %add3A_441 : i32
      %dma_wait3A_443 = arith.constant 1 : i32
      %dma_wait3A_444 = arith.constant 0 : i32
      %dma_wait3A_445 = arith.constant 0 : i32
      %dma_wait3A_446 = tpu.memref_slice %arg11[%dma_wait3A_443, %dma_wait3A_444, %dma_wait3A_445] : memref<2x200x32xf32, #tpu.memory_space<vmem>> -> memref<1x100x32xf32, #tpu.memory_space<vmem>>
      %dma_wait3A_447 = tpu.memref_squeeze %dma_wait3A_446 : memref<1x100x32xf32, #tpu.memory_space<vmem>> -> memref<100x32xf32, #tpu.memory_space<vmem>>
      %dma_wait3A_448 = arith.constant 0 : i32
      %dma_wait3A_449 = tpu.memref_slice %arg6[%add3A_442, %dma_wait3A_448] : memref<256x100xi32, #tpu.memory_space<vmem>> -> memref<1x100xi32, #tpu.memory_space<vmem>>
      %dma_wait3A_450 = tpu.memref_squeeze %dma_wait3A_449 : memref<1x100xi32, #tpu.memory_space<vmem>> -> memref<100xi32, #tpu.memory_space<vmem>>
      %dma_wait3A_451 = arith.constant 0 : i32
      %dma_wait3A_452 = arith.constant 0 : i32
      %dma_wait3A_453 = tpu.memref_slice %arg4[%dma_wait3A_451, %dma_wait3A_452] : memref<1000000x32xf32, #tpu.memory_space<hbm>> -> memref<1000000x32xf32, #tpu.memory_space<hbm>>
      tpu.wait_indirect_dma semaphore(%arg15 : memref<!tpu.dma_semaphore, #tpu.memory_space<semaphore_mem>>) src(%dma_wait3A_453 : memref<1000000x32xf32, #tpu.memory_space<hbm>>) dst(%dma_wait3A_447 : memref<100x32xf32, #tpu.memory_space<vmem>>)
      %add3A_454 = arith.constant 1 : i32
      %add3A_455 = arith.addi %mul3A_402, %add3A_454 : i32
      %mul3A_456 = arith.constant 2 : i32
      %mul3A_457 = arith.muli %add3A_455, %mul3A_456 : i32
      %add3A_458 = arith.constant 1 : i32
      %add3A_459 = arith.addi %mul3A_457, %add3A_458 : i32
      %dma_wait3A_460 = arith.constant 1 : i32
      %dma_wait3A_461 = arith.constant 100 : i32
      %dma_wait3A_462 = arith.constant 0 : i32
      %dma_wait3A_463 = tpu.memref_slice %arg11[%dma_wait3A_460, %dma_wait3A_461, %dma_wait3A_462] : memref<2x200x32xf32, #tpu.memory_space<vmem>> -> memref<1x100x32xf32, #tpu.memory_space<vmem>>
      %dma_wait3A_464 = tpu.memref_squeeze %dma_wait3A_463 : memref<1x100x32xf32, #tpu.memory_space<vmem>> -> memref<100x32xf32, #tpu.memory_space<vmem>>
      %dma_wait3A_465 = arith.constant 0 : i32
      %dma_wait3A_466 = tpu.memref_slice %arg6[%add3A_459, %dma_wait3A_465] : memref<256x100xi32, #tpu.memory_space<vmem>> -> memref<1x100xi32, #tpu.memory_space<vmem>>
      %dma_wait3A_467 = tpu.memref_squeeze %dma_wait3A_466 : memref<1x100xi32, #tpu.memory_space<vmem>> -> memref<100xi32, #tpu.memory_space<vmem>>
      %dma_wait3A_468 = arith.constant 0 : i32
      %dma_wait3A_469 = arith.constant 0 : i32
      %dma_wait3A_470 = tpu.memref_slice %arg4[%dma_wait3A_468, %dma_wait3A_469] : memref<1000000x32xf32, #tpu.memory_space<hbm>> -> memref<1000000x32xf32, #tpu.memory_space<hbm>>
      tpu.wait_indirect_dma semaphore(%arg15 : memref<!tpu.dma_semaphore, #tpu.memory_space<semaphore_mem>>) src(%dma_wait3A_470 : memref<1000000x32xf32, #tpu.memory_space<hbm>>) dst(%dma_wait3A_464 : memref<100x32xf32, #tpu.memory_space<vmem>>)
      %scan3A_471 = arith.constant 0 : i32
      %scan3A_472 = arith.constant 0 : i32
      %scan3A_473 = arith.constant 200 : i32
      %scan3A_474 = arith.addi %scan3A_472, %scan3A_473 : i32
      %scan3A_475 = arith.constant 1 : i32
      scf.for %scan3A_493 = %scan3A_472 to %scan3A_474 step %scan3A_475  : i32 {
        %get3A = arith.index_cast %scan3A_493 : i32 to index
        %get3A_494 = arith.constant 0 : index
        %get3A_495 = tpu.vector_load %arg7[%get3A, %get3A_494] {strides = array<i32>} : memref<200x32xf32, #tpu.memory_space<vmem>>, vector<1x16xf32>,
        %get3A_496 = vector.shape_cast %get3A_495 : vector<1x16xf32> to vector<16xf32>
        %get3A_497 = arith.index_cast %scan3A_493 : i32 to index
        %get3A_498 = arith.constant 16 : index
        %get3A_499 = tpu.vector_load %arg7[%get3A_497, %get3A_498] {strides = array<i32>} : memref<200x32xf32, #tpu.memory_space<vmem>>, vector<1x16xf32>,
        %get3A_500 = vector.shape_cast %get3A_499 : vector<1x16xf32> to vector<16xf32>
        %swap3A = arith.constant 0 : i32
        %swap3A_501 = arith.index_cast %swap3A : i32 to index
        %swap3A_502 = arith.index_cast %scan3A_493 : i32 to index
        %swap3A_503 = arith.constant 0 : index
        %swap3A_504 = tpu.vector_load %arg11[%swap3A_501, %swap3A_502, %swap3A_503] {strides = array<i32>} : memref<2x200x32xf32, #tpu.memory_space<vmem>>, vector<1x1x16xf32>,
        %swap3A_505 = vector.shape_cast %swap3A_504 : vector<1x1x16xf32> to vector<16xf32>
        %swap3A_506 = vector.shape_cast %get3A_496 : vector<16xf32> to vector<1x1x16xf32>
        tpu.vector_store %arg11[%swap3A_501, %swap3A_502, %swap3A_503], %swap3A_506 {add = true, strides = array<i32>} : memref<2x200x32xf32, #tpu.memory_space<vmem>>, vector<1x1x16xf32>,
        %swap3A_507 = arith.constant 0 : i32
        %swap3A_508 = arith.index_cast %swap3A_507 : i32 to index
        %swap3A_509 = arith.index_cast %scan3A_493 : i32 to index
        %swap3A_510 = arith.constant 16 : index
        %swap3A_511 = tpu.vector_load %arg11[%swap3A_508, %swap3A_509, %swap3A_510] {strides = array<i32>} : memref<2x200x32xf32, #tpu.memory_space<vmem>>, vector<1x1x16xf32>,
        %swap3A_512 = vector.shape_cast %swap3A_511 : vector<1x1x16xf32> to vector<16xf32>
        %swap3A_513 = vector.shape_cast %get3A_500 : vector<16xf32> to vector<1x1x16xf32>
        tpu.vector_store %arg11[%swap3A_508, %swap3A_509, %swap3A_510], %swap3A_513 {add = true, strides = array<i32>} : memref<2x200x32xf32, #tpu.memory_space<vmem>>, vector<1x1x16xf32>,
        %swap3A_514 = arith.constant 1 : i32
        %swap3A_515 = arith.index_cast %swap3A_514 : i32 to index
        %swap3A_516 = arith.index_cast %scan3A_493 : i32 to index
        %swap3A_517 = arith.constant 0 : index
        %swap3A_518 = tpu.vector_load %arg11[%swap3A_515, %swap3A_516, %swap3A_517] {strides = array<i32>} : memref<2x200x32xf32, #tpu.memory_space<vmem>>, vector<1x1x16xf32>,
        %swap3A_519 = vector.shape_cast %swap3A_518 : vector<1x1x16xf32> to vector<16xf32>
        %swap3A_520 = vector.shape_cast %get3A_496 : vector<16xf32> to vector<1x1x16xf32>
        tpu.vector_store %arg11[%swap3A_515, %swap3A_516, %swap3A_517], %swap3A_520 {add = true, strides = array<i32>} : memref<2x200x32xf32, #tpu.memory_space<vmem>>, vector<1x1x16xf32>,
        %swap3A_521 = arith.constant 1 : i32
        %swap3A_522 = arith.index_cast %swap3A_521 : i32 to index
        %swap3A_523 = arith.index_cast %scan3A_493 : i32 to index
        %swap3A_524 = arith.constant 16 : index
        %swap3A_525 = tpu.vector_load %arg11[%swap3A_522, %swap3A_523, %swap3A_524] {strides = array<i32>} : memref<2x200x32xf32, #tpu.memory_space<vmem>>, vector<1x1x16xf32>,
        %swap3A_526 = vector.shape_cast %swap3A_525 : vector<1x1x16xf32> to vector<16xf32>
        %swap3A_527 = vector.shape_cast %get3A_500 : vector<16xf32> to vector<1x1x16xf32>
        tpu.vector_store %arg11[%swap3A_522, %swap3A_523, %swap3A_524], %swap3A_527 {add = true, strides = array<i32>} : memref<2x200x32xf32, #tpu.memory_space<vmem>>, vector<1x1x16xf32>,
      }
      %scan3A_476 = arith.constant 200 : i32
      %mul3A_477 = arith.constant 2 : i32
      %mul3A_478 = arith.muli %add3A_400, %mul3A_477 : i32
      %add3A_479 = arith.addi %mul3A_2, %mul3A_478 : i32
      %dma_start3A_480 = arith.constant 0 : i32
      %dma_start3A_481 = arith.constant 0 : i32
      %dma_start3A_482 = tpu.memref_slice %arg5[%add3A_479, %dma_start3A_480, %dma_start3A_481] : memref<4096x200x32xf32, #tpu.memory_space<hbm>> -> memref<2x200x32xf32, #tpu.memory_space<hbm>>
      %dma_start3A_483 = arith.constant 0 : i32
      %dma_start3A_484 = arith.constant 0 : i32
      %dma_start3A_485 = tpu.memref_slice %arg5[%add3A_479, %dma_start3A_483, %dma_start3A_484] : memref<4096x200x32xf32, #tpu.memory_space<hbm>> -> memref<2x200x32xf32, #tpu.memory_space<hbm>>
      tpu.enqueue_dma source(%arg11 : memref<2x200x32xf32, #tpu.memory_space<vmem>>) target(%dma_start3A_485 : memref<2x200x32xf32, #tpu.memory_space<hbm>>) target_semaphore(%arg19 : memref<!tpu.dma_semaphore, #tpu.memory_space<semaphore_mem>>)
      %add3A_486 = arith.constant 2 : i32
      %add3A_487 = arith.addi %add3A_400, %add3A_486 : i32
      %lt3A_488 = arith.constant 15 : i32
      %lt3A_489 = arith.cmpi slt, %scan3A_118, %lt3A_488 : i32
      %convert_element_type3A_490 = arith.extui %lt3A_489 : i1 to i32
      %cond3A_491 = arith.constant 0 : i32
      %cond3A_492 = arith.cmpi ne, %convert_element_type3A_490, %cond3A_491 : i32
      scf.if %cond3A_492 {
        %sub3A = arith.constant 4 : i32
        %sub3A_493 = arith.subi %add3A_487, %sub3A : i32
        %mul3A_494 = arith.constant 2 : i32
        %mul3A_495 = arith.muli %sub3A_493, %mul3A_494 : i32
        %add3A_496 = arith.addi %mul3A_2, %mul3A_495 : i32
        %dma_wait3A_497 = arith.constant 0 : i32
        %dma_wait3A_498 = arith.constant 0 : i32
        %dma_wait3A_499 = tpu.memref_slice %arg5[%add3A_496, %dma_wait3A_497, %dma_wait3A_498] : memref<4096x200x32xf32, #tpu.memory_space<hbm>> -> memref<2x200x32xf32, #tpu.memory_space<hbm>>
        %dma_wait3A_500 = arith.constant 0 : i32
        %dma_wait3A_501 = arith.constant 0 : i32
        %dma_wait3A_502 = tpu.memref_slice %arg5[%add3A_496, %dma_wait3A_500, %dma_wait3A_501] : memref<4096x200x32xf32, #tpu.memory_space<hbm>> -> memref<2x200x32xf32, #tpu.memory_space<hbm>>
        tpu.wait_dma2 semaphore(%arg17 : memref<!tpu.dma_semaphore, #tpu.memory_space<semaphore_mem>>) src(%arg9 : memref<2x200x32xf32, #tpu.memory_space<vmem>>) dst(%dma_wait3A_502 : memref<2x200x32xf32, #tpu.memory_space<hbm>>)
        %mul3A_503 = arith.constant 2 : i32
        %mul3A_504 = arith.muli %add3A_487, %mul3A_503 : i32
        %add3A_505 = arith.constant 0 : i32
        %add3A_506 = arith.addi %mul3A_504, %add3A_505 : i32
        %mul3A_507 = arith.constant 2 : i32
        %mul3A_508 = arith.muli %add3A_506, %mul3A_507 : i32
        %add3A_509 = arith.constant 0 : i32
        %add3A_510 = arith.addi %mul3A_508, %add3A_509 : i32
        %dma_start3A_511 = arith.constant 0 : i32
        %dma_start3A_512 = arith.constant 0 : i32
        %dma_start3A_513 = arith.constant 0 : i32
        %dma_start3A_514 = tpu.memref_slice %arg9[%dma_start3A_511, %dma_start3A_512, %dma_start3A_513] : memref<2x200x32xf32, #tpu.memory_space<vmem>> -> memref<1x100x32xf32, #tpu.memory_space<vmem>>
        %dma_start3A_515 = tpu.memref_squeeze %dma_start3A_514 : memref<1x100x32xf32, #tpu.memory_space<vmem>> -> memref<100x32xf32, #tpu.memory_space<vmem>>
        %dma_start3A_516 = arith.constant 0 : i32
        %dma_start3A_517 = tpu.memref_slice %arg6[%add3A_510, %dma_start3A_516] : memref<256x100xi32, #tpu.memory_space<vmem>> -> memref<1x100xi32, #tpu.memory_space<vmem>>
        %dma_start3A_518 = tpu.memref_squeeze %dma_start3A_517 : memref<1x100xi32, #tpu.memory_space<vmem>> -> memref<100xi32, #tpu.memory_space<vmem>>
        %dma_start3A_519 = arith.constant 0 : i32
        %dma_start3A_520 = arith.constant 0 : i32
        %dma_start3A_521 = tpu.memref_slice %arg4[%dma_start3A_519, %dma_start3A_520] : memref<1000000x32xf32, #tpu.memory_space<hbm>> -> memref<1000000x32xf32, #tpu.memory_space<hbm>>
        tpu.enqueue_indirect_dma source(%dma_start3A_521 : memref<1000000x32xf32, #tpu.memory_space<hbm>>) target(%dma_start3A_515 : memref<100x32xf32, #tpu.memory_space<vmem>>) offsets(%dma_start3A_518 : memref<100xi32, #tpu.memory_space<vmem>>) semaphore(%arg13 : memref<!tpu.dma_semaphore, #tpu.memory_space<semaphore_mem>>)
        %add3A_522 = arith.constant 0 : i32
        %add3A_523 = arith.addi %mul3A_504, %add3A_522 : i32
        %mul3A_524 = arith.constant 2 : i32
        %mul3A_525 = arith.muli %add3A_523, %mul3A_524 : i32
        %add3A_526 = arith.constant 1 : i32
        %add3A_527 = arith.addi %mul3A_525, %add3A_526 : i32
        %dma_start3A_528 = arith.constant 0 : i32
        %dma_start3A_529 = arith.constant 100 : i32
        %dma_start3A_530 = arith.constant 0 : i32
        %dma_start3A_531 = tpu.memref_slice %arg9[%dma_start3A_528, %dma_start3A_529, %dma_start3A_530] : memref<2x200x32xf32, #tpu.memory_space<vmem>> -> memref<1x100x32xf32, #tpu.memory_space<vmem>>
        %dma_start3A_532 = tpu.memref_squeeze %dma_start3A_531 : memref<1x100x32xf32, #tpu.memory_space<vmem>> -> memref<100x32xf32, #tpu.memory_space<vmem>>
        %dma_start3A_533 = arith.constant 0 : i32
        %dma_start3A_534 = tpu.memref_slice %arg6[%add3A_527, %dma_start3A_533] : memref<256x100xi32, #tpu.memory_space<vmem>> -> memref<1x100xi32, #tpu.memory_space<vmem>>
        %dma_start3A_535 = tpu.memref_squeeze %dma_start3A_534 : memref<1x100xi32, #tpu.memory_space<vmem>> -> memref<100xi32, #tpu.memory_space<vmem>>
        %dma_start3A_536 = arith.constant 0 : i32
        %dma_start3A_537 = arith.constant 0 : i32
        %dma_start3A_538 = tpu.memref_slice %arg4[%dma_start3A_536, %dma_start3A_537] : memref<1000000x32xf32, #tpu.memory_space<hbm>> -> memref<1000000x32xf32, #tpu.memory_space<hbm>>
        tpu.enqueue_indirect_dma source(%dma_start3A_538 : memref<1000000x32xf32, #tpu.memory_space<hbm>>) target(%dma_start3A_532 : memref<100x32xf32, #tpu.memory_space<vmem>>) offsets(%dma_start3A_535 : memref<100xi32, #tpu.memory_space<vmem>>) semaphore(%arg13 : memref<!tpu.dma_semaphore, #tpu.memory_space<semaphore_mem>>)
        %add3A_539 = arith.constant 1 : i32
        %add3A_540 = arith.addi %mul3A_504, %add3A_539 : i32
        %mul3A_541 = arith.constant 2 : i32
        %mul3A_542 = arith.muli %add3A_540, %mul3A_541 : i32
        %add3A_543 = arith.constant 0 : i32
        %add3A_544 = arith.addi %mul3A_542, %add3A_543 : i32
        %dma_start3A_545 = arith.constant 1 : i32
        %dma_start3A_546 = arith.constant 0 : i32
        %dma_start3A_547 = arith.constant 0 : i32
        %dma_start3A_548 = tpu.memref_slice %arg9[%dma_start3A_545, %dma_start3A_546, %dma_start3A_547] : memref<2x200x32xf32, #tpu.memory_space<vmem>> -> memref<1x100x32xf32, #tpu.memory_space<vmem>>
        %dma_start3A_549 = tpu.memref_squeeze %dma_start3A_548 : memref<1x100x32xf32, #tpu.memory_space<vmem>> -> memref<100x32xf32, #tpu.memory_space<vmem>>
        %dma_start3A_550 = arith.constant 0 : i32
        %dma_start3A_551 = tpu.memref_slice %arg6[%add3A_544, %dma_start3A_550] : memref<256x100xi32, #tpu.memory_space<vmem>> -> memref<1x100xi32, #tpu.memory_space<vmem>>
        %dma_start3A_552 = tpu.memref_squeeze %dma_start3A_551 : memref<1x100xi32, #tpu.memory_space<vmem>> -> memref<100xi32, #tpu.memory_space<vmem>>
        %dma_start3A_553 = arith.constant 0 : i32
        %dma_start3A_554 = arith.constant 0 : i32
        %dma_start3A_555 = tpu.memref_slice %arg4[%dma_start3A_553, %dma_start3A_554] : memref<1000000x32xf32, #tpu.memory_space<hbm>> -> memref<1000000x32xf32, #tpu.memory_space<hbm>>
        tpu.enqueue_indirect_dma source(%dma_start3A_555 : memref<1000000x32xf32, #tpu.memory_space<hbm>>) target(%dma_start3A_549 : memref<100x32xf32, #tpu.memory_space<vmem>>) offsets(%dma_start3A_552 : memref<100xi32, #tpu.memory_space<vmem>>) semaphore(%arg13 : memref<!tpu.dma_semaphore, #tpu.memory_space<semaphore_mem>>)
        %add3A_556 = arith.constant 1 : i32
        %add3A_557 = arith.addi %mul3A_504, %add3A_556 : i32
        %mul3A_558 = arith.constant 2 : i32
        %mul3A_559 = arith.muli %add3A_557, %mul3A_558 : i32
        %add3A_560 = arith.constant 1 : i32
        %add3A_561 = arith.addi %mul3A_559, %add3A_560 : i32
        %dma_start3A_562 = arith.constant 1 : i32
        %dma_start3A_563 = arith.constant 100 : i32
        %dma_start3A_564 = arith.constant 0 : i32
        %dma_start3A_565 = tpu.memref_slice %arg9[%dma_start3A_562, %dma_start3A_563, %dma_start3A_564] : memref<2x200x32xf32, #tpu.memory_space<vmem>> -> memref<1x100x32xf32, #tpu.memory_space<vmem>>
        %dma_start3A_566 = tpu.memref_squeeze %dma_start3A_565 : memref<1x100x32xf32, #tpu.memory_space<vmem>> -> memref<100x32xf32, #tpu.memory_space<vmem>>
        %dma_start3A_567 = arith.constant 0 : i32
        %dma_start3A_568 = tpu.memref_slice %arg6[%add3A_561, %dma_start3A_567] : memref<256x100xi32, #tpu.memory_space<vmem>> -> memref<1x100xi32, #tpu.memory_space<vmem>>
        %dma_start3A_569 = tpu.memref_squeeze %dma_start3A_568 : memref<1x100xi32, #tpu.memory_space<vmem>> -> memref<100xi32, #tpu.memory_space<vmem>>
        %dma_start3A_570 = arith.constant 0 : i32
        %dma_start3A_571 = arith.constant 0 : i32
        %dma_start3A_572 = tpu.memref_slice %arg4[%dma_start3A_570, %dma_start3A_571] : memref<1000000x32xf32, #tpu.memory_space<hbm>> -> memref<1000000x32xf32, #tpu.memory_space<hbm>>
        tpu.enqueue_indirect_dma source(%dma_start3A_572 : memref<1000000x32xf32, #tpu.memory_space<hbm>>) target(%dma_start3A_566 : memref<100x32xf32, #tpu.memory_space<vmem>>) offsets(%dma_start3A_569 : memref<100xi32, #tpu.memory_space<vmem>>) semaphore(%arg13 : memref<!tpu.dma_semaphore, #tpu.memory_space<semaphore_mem>>)
      } else {
        %sub3A = arith.constant 4 : i32
        %sub3A_493 = arith.subi %add3A_487, %sub3A : i32
        %mul3A_494 = arith.constant 2 : i32
        %mul3A_495 = arith.muli %sub3A_493, %mul3A_494 : i32
        %add3A_496 = arith.addi %mul3A_2, %mul3A_495 : i32
        %dma_wait3A_497 = arith.constant 0 : i32
        %dma_wait3A_498 = arith.constant 0 : i32
        %dma_wait3A_499 = tpu.memref_slice %arg5[%add3A_496, %dma_wait3A_497, %dma_wait3A_498] : memref<4096x200x32xf32, #tpu.memory_space<hbm>> -> memref<2x200x32xf32, #tpu.memory_space<hbm>>
        %dma_wait3A_500 = arith.constant 0 : i32
        %dma_wait3A_501 = arith.constant 0 : i32
        %dma_wait3A_502 = tpu.memref_slice %arg5[%add3A_496, %dma_wait3A_500, %dma_wait3A_501] : memref<4096x200x32xf32, #tpu.memory_space<hbm>> -> memref<2x200x32xf32, #tpu.memory_space<hbm>>
        tpu.wait_dma2 semaphore(%arg17 : memref<!tpu.dma_semaphore, #tpu.memory_space<semaphore_mem>>) src(%arg9 : memref<2x200x32xf32, #tpu.memory_space<vmem>>) dst(%dma_wait3A_502 : memref<2x200x32xf32, #tpu.memory_space<hbm>>)
      }
    }
    %scan3A_102 = arith.constant 16 : i32
    %add3A_103 = arith.constant 124 : i32
    %add3A_104 = arith.addi %mul3A_2, %add3A_103 : i32
    %dma_wait3A = arith.constant 0 : i32
    %dma_wait3A_105 = arith.constant 0 : i32
    %dma_wait3A_106 = tpu.memref_slice %arg5[%add3A_104, %dma_wait3A, %dma_wait3A_105] : memref<4096x200x32xf32, #tpu.memory_space<hbm>> -> memref<2x200x32xf32, #tpu.memory_space<hbm>>
    %dma_wait3A_107 = arith.constant 0 : i32
    %dma_wait3A_108 = arith.constant 0 : i32
    %dma_wait3A_109 = tpu.memref_slice %arg5[%add3A_104, %dma_wait3A_107, %dma_wait3A_108] : memref<4096x200x32xf32, #tpu.memory_space<hbm>> -> memref<2x200x32xf32, #tpu.memory_space<hbm>>
    tpu.wait_dma2 semaphore(%arg18 : memref<!tpu.dma_semaphore, #tpu.memory_space<semaphore_mem>>) src(%arg10 : memref<2x200x32xf32, #tpu.memory_space<vmem>>) dst(%dma_wait3A_109 : memref<2x200x32xf32, #tpu.memory_space<hbm>>)
    %add3A_110 = arith.constant 126 : i32
    %add3A_111 = arith.addi %mul3A_2, %add3A_110 : i32
    %dma_wait3A_112 = arith.constant 0 : i32
    %dma_wait3A_113 = arith.constant 0 : i32
    %dma_wait3A_114 = tpu.memref_slice %arg5[%add3A_111, %dma_wait3A_112, %dma_wait3A_113] : memref<4096x200x32xf32, #tpu.memory_space<hbm>> -> memref<2x200x32xf32, #tpu.memory_space<hbm>>
    %dma_wait3A_115 = arith.constant 0 : i32
    %dma_wait3A_116 = arith.constant 0 : i32
    %dma_wait3A_117 = tpu.memref_slice %arg5[%add3A_111, %dma_wait3A_115, %dma_wait3A_116] : memref<4096x200x32xf32, #tpu.memory_space<hbm>> -> memref<2x200x32xf32, #tpu.memory_space<hbm>>
    tpu.wait_dma2 semaphore(%arg19 : memref<!tpu.dma_semaphore, #tpu.memory_space<semaphore_mem>>) src(%arg11 : memref<2x200x32xf32, #tpu.memory_space<vmem>>) dst(%dma_wait3A_117 : memref<2x200x32xf32, #tpu.memory_space<hbm>>)
    return
  }
}

</mosaic_0001>

<sc_bundles>
// kernel: kernel.3.cloned.1.call-start
scs
__scs_entry_jumppad:
0x0: {  	(pc) =	sbr.rel $0x88, $3  }
0x1: {  	(tag) =	ssettag $0x0;
	lr =	simm.s32 $0x1  }
0x2: {  	[smem:$0x3F9E] =	sst lr;
	_ =	strace $0xD0000000  }
0x3: {  	_ = 	snop  }
0x4: {  	_ = 	snop  }
0x5: {  	_ = 	snop  }
0x6: {  	_ = 	snop  }
0x7: {  	_ = 	snop  }
__scs_overlays_trampoline_lowered:
0x8: {  	[smem:$0x3FAD] =	sst s0  }
0x9: {  	[smem:$0x3FAE] =	sst s1  }
0xa: {  	[smem:$0x3FAF] =	sst s2  }
0xb: {  	[smem:$0x3FB0] =	sst s3  }
0xc: {  	[smem:$0x3FB1] =	sst s4  }
0xd: {  	[smem:$0x3FB2] =	sst s5  }
0xe: {  	[smem:$0x3FB3] =	sst s6  }
0xf: {  	[smem:$0x3FB4] =	sst s7  }
0x10: {  	[smem:$0x3FB5] =	sst s8  }
0x11: {  	[smem:$0x3FB6] =	sst s9;
	s0 =	simm.s32 @!p0 $0x0  }
0x12: {  	s1 =	sld [smem:$0x3F9C];
	s0 =	simm.s32 @p0 $0x1  }
0x13: {  	[smem:$0x3FB7] =	sst s0;
	s0 =	simm.s32 @!p1 $0x0  }
0x14: {  	s2 =	sld [smem:$0x3F9B];
	s0 =	simm.s32 @p1 $0x1  }
0x15: {  	[smem:$0x3FB8] =	sst s0;
	s0 =	simm.s32 @!p2 $0x0  }
0x16: {  	s3 =	sld [smem:$0x3FDB];
	s0 =	simm.s32 @p2 $0x1  }
0x17: {  	s4 =	simm.s32 $0x1BF5;
	[smem:$0x3FBA] =	sst s0  }
0x18: {  	s0 =	sld [smem:$0x3F9D];
	_ =	swait.ge [sflag:s4], $0x0  }
0x19: {  	s7 =	sld [smem:$0x3F9E]  }
0x1a: {  	s8 =	sadd.s32 $0xFFFFE003, lr  }
0x1b: {  	s9 =	sadd.s32 $0xFFFFFEF7, lr;
	s5 =	simm.s32 $0xFFFFFFFF;
	p2 =	slt.u32 s8, $0xFFFFF086  }
0x1c: {  	p1 =	slt.u32 s9, $0xF7A;
	s5 =	simm.s32 @!p2 $0x0  }
0x1d: {  	s5 =	simm.s32 @p1 $0x1;
	p0 =	seq.s32 s7, s2  }
0x1e: {  	s7 =	smul.u32 @!p0 $0xF7A, s2;
	p2 =	seq.s32 @!p0 s5, $0x0  }
0x1f: {  	s9 =	smul.u32 $0xF7A, s1;
	s8 =	simm.s32 @!p0 $0x1BF5;
	p2 =	por !p2, p0  }
0x20: {  	[sflag:s8] =	ssyncset.s32 @!p0 $0xFFFFF086;
	s6 =	sadd.s32 @!p0 s3, s7;
	s7 =	simm.s32 @!p0 $0x108  }
0x21: {  	s3 =	sadd.s32 s3, s9;
	s6 =	sadd.s32 @!p0 $0x88, s6;
	s7 =	simm.s32 @p2 $0x1082  }
0x22: {  	[simem:s7], [sflag:s8] =	dma.local @!p0 [hbm:s6], $0xF7A  }
0x23: {  	s9 =	sor.u32 $0xD0000000, s2;
	s6 =	simm.s32 $0x108;
	_ =	swait.ge @!p0 [sflag:s8], $0x0  }
0x24: {  	s3 =	sadd.s32 $0x88, s3;
	s6 =	simm.s32 @!p1 $0x1082;
	[sflag:s4] =	ssyncset.s32 $0xFFFFF086  }
0x25: {  	[simem:s6], [sflag:s4] =	dma.local [hbm:s3], $0xF7A  }
0x26: {  	[smem:$0x3F9E] =	sst s1;
	(tag) =	ssettag s2;
	_ =	strace s9  }
0x27: {  	s1 =	sld [smem:$0x3FAE]  }
0x28: {  	s2 =	sld [smem:$0x3FAF]  }
0x29: {  	s4 =	sld [smem:$0x3FB1]  }
0x2a: {  	p0 =	seq.s32 s5, $0x0;
	s5 =	sld [smem:$0x3FB2]  }
0x2b: {  	s6 =	sld [smem:$0x3FB3]  }
0x2c: {  	s7 =	sld [smem:$0x3FB4]  }
0x2d: {  	s3 =	simm.s32 $0x108;
	s8 =	sld [smem:$0x3FB5]  }
0x2e: {  	s3 =	simm.s32 @!p0 $0x1082;
	s9 =	sld [smem:$0x3FB6]  }
0x2f: {  	lr =	sadd.s32 s0, s3;
	s0 =	sld [smem:$0x3FAD]  }
0x30: {  	s3 =	sld [smem:$0x3FB0]  }
0x31: {  	[smem:$0x3FB9] =	sst s10  }
0x32: {  	s10 =	sld [smem:$0x3FB7];
	_ =	sdelay $0x3  }
0x33: {  	p0 =	seq.s32 s10, $0x1;
	s10 =	sld [smem:$0x3FB9];
	_ =	sdelay $0x3  }
0x34: {  	[smem:$0x3FB9] =	sst s10  }
0x35: {  	s10 =	sld [smem:$0x3FB8];
	_ =	sdelay $0x3  }
0x36: {  	p1 =	seq.s32 s10, $0x1;
	s10 =	sld [smem:$0x3FB9];
	_ =	sdelay $0x3  }
0x37: {  	[smem:$0x3FB9] =	sst s10  }
0x38: {  	s10 =	sld [smem:$0x3FBA]  }
0x39: {  	_ = 	snop;
	(pc) =	sbr.ind lr, $3  }
0x3a: {  	_ = 	snop  }
0x3b: {  	_ = 	snop  }
0x3c: {  	p2 =	seq.s32 s10, $0x1;
	s10 =	sld [smem:$0x3FB9]  }
0x3d: {  	_ =	shalt  }
0x3e: {  	_ =	shalt  }
0x3f: {  	_ =	shalt  }
0x40: {  	_ =	shalt  }
0x41: {  	_ =	shalt  }
0x42: {  	_ =	shalt  }
0x43: {  	_ =	shalt  }
0x44: {  	_ =	shalt  }
0x45: {  	_ =	shalt  }
0x46: {  	_ =	shalt  }
0x47: {  	_ =	shalt  }
0x48: {  	_ =	shalt  }
0x49: {  	_ =	shalt  }
0x4a: {  	_ =	shalt  }
0x4b: {  	_ =	shalt  }
0x4c: {  	_ =	shalt  }
0x4d: {  	_ =	shalt  }
0x4e: {  	_ =	shalt  }
0x4f: {  	_ =	shalt  }
0x50: {  	_ =	shalt  }
0x51: {  	_ =	shalt  }
0x52: {  	_ =	shalt  }
0x53: {  	_ =	shalt  }
0x54: {  	_ =	shalt  }
0x55: {  	_ =	shalt  }
0x56: {  	_ =	shalt  }
0x57: {  	_ =	shalt  }
0x58: {  	_ =	shalt  }
0x59: {  	_ =	shalt  }
0x5a: {  	_ =	shalt  }
0x5b: {  	_ =	shalt  }
0x5c: {  	_ =	shalt  }
0x5d: {  	_ =	shalt  }
0x5e: {  	_ =	shalt  }
0x5f: {  	_ =	shalt  }
0x60: {  	_ =	shalt  }
0x61: {  	_ =	shalt  }
0x62: {  	_ =	shalt  }
0x63: {  	_ =	shalt  }
0x64: {  	_ =	shalt  }
0x65: {  	_ =	shalt  }
0x66: {  	_ =	shalt  }
0x67: {  	_ =	shalt  }
0x68: {  	_ =	shalt  }
0x69: {  	_ =	shalt  }
0x6a: {  	_ =	shalt  }
0x6b: {  	_ =	shalt  }
0x6c: {  	_ =	shalt  }
0x6d: {  	_ =	shalt  }
0x6e: {  	_ =	shalt  }
0x6f: {  	_ =	shalt  }
0x70: {  	_ =	shalt  }
0x71: {  	_ =	shalt  }
0x72: {  	_ =	shalt  }
0x73: {  	_ =	shalt  }
0x74: {  	_ =	shalt  }
0x75: {  	_ =	shalt  }
0x76: {  	_ =	shalt  }
0x77: {  	_ =	shalt  }
0x78: {  	_ =	shalt  }
0x79: {  	_ =	shalt  }
0x7a: {  	_ =	shalt  }
0x7b: {  	_ =	shalt  }
0x7c: {  	_ =	shalt  }
0x7d: {  	_ =	shalt  }
0x7e: {  	_ =	shalt  }
0x7f: {  	_ =	shalt  }
0x80: {  	_ =	shalt  }
0x81: {  	_ =	shalt  }
0x82: {  	_ =	shalt  }
0x83: {  	_ =	shalt  }
0x84: {  	_ =	shalt  }
0x85: {  	_ =	shalt  }
0x86: {  	_ =	shalt  }
0x87: {  	_ =	shalt  }
.Lfunc_end0:
.L_simem_size_0:
called_computation_lowered:
.L_overlay_start_0:
0x88: {  	s2 =	sld [smem:$0x3FD9]  }
0x89: {  	s3 =	sld [smem:$0x3FFE];
	_ =	sdelay $0x1  }
0x8a: {  	s1 =	srdreg.scid  }
0x8b: {  	s0 =	sand.u32 $0x1, s1  }
0x8c: {  	s17 =	sshll.u32 s0, $0xA;
	s2 =	sadd.s32 s3, s2  }
0x8d: {  	s2 =	sadd.s32 s2, s17  }
0x8e: {  	[smem:$0x3FC5] =	sst s2  }
0x8f: {  	_ = 	snop  }
0x90: {  	s2 =	sld [smem:$0x3FD0];
	(tm) =	ssettm $0x1  }
0x91: {  	s18 =	sld [smem:$0x3FFB];
	_ =	sdelay $0x3  }
0x92: {  	_ =	strace s18  }
0x93: {  	s3 =	sld [smem:$0x3FFC];
	_ =	sdelay $0x3  }
0x94: {  	_ =	strace s3  }
0x95: {  	s3 =	sld [smem:$0x3FFD];
	_ =	sdelay $0x3  }
0x96: {  	_ =	strace s3  }
0x97: {  	_ =	strace $0x8FFFFFFF  }
0x98: {  	s19 =	sld [smem:$0x3FDB];
	_ =	sdelay $0x1  }
0x99: {  	s4 =	simm.s32 $_scs_section_size  }
0x9a: {  	s5 =	simm.s32 $_size__tile_overlayer_lowered;
	s6 =	simm.s32 $_tile_overlayer_lowered  }
0x9b: {  	s22 =	simm.s32 $0x1BFF;
	s21 =	sshll.u32 s6, $0x1;
	s3 =	sadd.s32 s4, s19  }
0x9c: {  	s7 =	simm.s32 $0x0;
	s20 =	sshll.u32 s5, $0x1;
	s5 =	sadd.s32 s21, s3  }
0x9d: {  	[timem:s7], [sflag:s22] =	dma.local [hbm:s5], s20  }
0x9e: {  	_ =	swait.ge [sflag:s22], s20  }
0x9f: {  	s4 =	ssub.s32 $0x0, s20;
	[sflag:s22] =	ssyncset.done $0x0  }
0xa0: {  	[sflag:s22] =	ssyncadd.s32 s4;
	_ =	sdelay $0x1  }
0xa1: {  	s23 =	simm.s32 $0x1B8B  }
0xa2: {  	_ =	swait.ge [sflag:s23], $0x1  }
0xa3: {  	[sflag:s23] =	ssyncset.done $0x0  }
0xa4: {  	s25 =	simm.s32 $0x1B8E;
	s24 =	sld [smem:$0x3FFE];
	[sflag:s23] =	ssyncadd.s32 $0xFFFFFFFF  }
0xa5: {  	s26 =	simm.s32 $execute0_lowered;
	[smem:$0x3FD2] =	sst s25  }
0xa6: {  	s5 =	sshll.u32 s26, $0x1;
	_ =	strace $0x80000046;
	[dreg:$0x1] =	wrdreg $0xFFFFFFFF  }
0xa7: {  	s28 =	simm.s32 $_size_execute0_lowered;
	s3 =	sadd.s32 s3, s5;
	[dreg:$0x0] =	wrdreg $0x0  }
0xa8: {  	s5 =	sshll.u32 s28, $0x1;
	[dreg:$0x2] =	wrdreg s3  }
0xa9: {  	[dreg:$0x3] =	wrdreg s5  }
0xaa: {  	[dreg:$0x4] =	wrdreg $0xC0  }
0xab: {  	_ =	task [dreg:s7], $0x5FFFF  }
0xac: {  	[dreg:$0x1] =	wrdreg $0xFFFFFFFF  }
0xad: {  	[dreg:$0x0] =	wrdreg $0x60  }
0xae: {  	[dreg:$0x2] =	wrdreg s24  }
0xaf: {  	[dreg:$0x3] =	wrdreg s2  }
0xb0: {  	[dreg:$0x4] =	wrdreg $0x9  }
0xb1: {  	_ =	task.clear_ibuf [dreg:s7], $0x5FFFF;
	_ =	strace $0x90000046  }
0xb2: {  	s29 =	simm.s32 $0x9;
	_ =	strace $0x80000048  }
0xb3: {  	_ =	swait.ge [sflag:s29], $0x1  }
0xb4: {  	[sflag:s29] =	ssyncadd.s32 $0xFFFFFFFF  }
0xb5: {  	_ =	strace $0x90000048  }
0xb6: {  	_ =	sfence  }
0xb7: {  	s30 =	sld [smem:$0x0];
	_ =	sdelay $0x2  }
0xb8: {  	s31 =	sshll.u32 s1, $0xD;
	s1 =	sshrl.u32 s1, $0x2  }
0xb9: {  	s3 =	sand.u32 $0x4000, s31;
	s1 =	sadd.s32 s1, s30  }
0xba: {  	s0 =	sor.u32 s3, s0;
	s1 =	sshll.u32 s1, $0x11  }
0xbb: {  	s0 =	sor.u32 s1, s0  }
0xbc: {  	s0 =	sadd.s32 $0x8F2B, s0  }
0xbd: {  	[sflag:s0] =	ssyncadd.remote.s32 $0x1  }
0xbe: {  	_ =	sfence.sel $0xFFFF  }
0xbf: {  	[dreg:$0x0] =	wrdreg $0xFFFFFFFF;
	(pc) =	sbr.abs _section_cstart, $3  }
0xc0: {  	[dreg:$0x1] =	wrdreg $0xFFFFFFFF  }
0xc1: {  	_ =	task.clear_ibuf [dreg:s7], $0x2FFFF;
	_ =	strace $0x9FFFFFFF  }
0xc2: {  	(tm) =	ssettm $0x7FFFFFFF  }
0xc3: {  	_ =	shalt  }
tec
execute0_lowered:
.L_overlay_start_1:
0x0: {  	(tag) =	ssettag $0x1  }
0x1: {  	s0 =	srdreg.scid  }
0x2: {  	s2 =	stileid.u32;
	s1 =	rddreg [dreg:$0x0]  }
0x3: {  	s11 =	simm.s32 $0x64;
	s12 =	simm.s32 $0x8100;
	s20 =	simm.s32 $0xB300  }
0x4: {  	s22 =	simm.s32 $0xBF80;
	s28 =	simm.s32 $0x1;
	s29 =	simm.s32 $0xE500  }
0x5: {  	s30 =	simm.s32 $0xF180;
	s31 =	simm.s32 $0xFE00;
	s10 =	simm.s32 $0x11700  }
0x6: {  	s13 =	simm.s32 $0x12380;
	s14 =	simm.s32 $0x13000;
	s15 =	simm.s32 $0x13C80  }
0x7: {  	s16 =	simm.s32 $0x3;
	s17 =	simm.s32 $0x5;
	s18 =	simm.s32 $0x4  }
0x8: {  	s19 =	simm.s32 $0x6;
	s8 =	simm.s32 $0x0;
	s0 =	sand.u32 $0x1, s0  }
0x9: {  	s3 =	sshll.u32 s2, $0x1;
	s2 =	rddreg [dreg:$0x1];
	s24 =	sadd.s32 $0x1AE00, s1  }
0xa: {  	s4 =	sor.u32 s0, s3;
	s3 =	simm.s32 $0x0;
	s0 =	ssub.s32 $0x2, s0  }
0xb: {  	s5 =	smul.u32 $0xD00, s4;
	[smem:$0x7FF] =	sst s3;
	s25 =	sshrl.u32 s0, $0x1  }
.Ltmp0:
0xc: {  	s6 =	sshll.u32 s4, $0x7;
	_ =	strace $0x80000047;
	(pc) =	sbr.rel .LBB2_1-.Ltmp0, $4  }
0xd: {  	[dreg:$0x3] =	wrdreg s24;
	s0 =	ssub.s32 s0, s25;
	s24 =	simm.s32 $0xCC00  }
0xe: {  	s7 =	sadd.s32 s5, s1;
	s5 =	sadd.s32 $0xF43200, s1;
	s0 =	smax.u32 s0, $0x1  }
0xf: {  	s1 =	simm.s32 $0x10A80;
	s26 =	sadd.s32 $0xE00, s7;
	[dreg:$0x5] =	wrdreg s0  }
0x10: {  	s0 =	simm.s32 $0x2;
	[dreg:$0x4] =	wrdreg s26;
	s26 =	simm.s32 $0xD880  }
.LBB2_12:
0x11: {  	s4 =	simm.s32 $0x7  }
0x12: {  	_ =	swait.ge [sflag:s4], $0x3200  }
0x13: {  	[sflag:s4] =	ssyncset.done $0x0  }
0x14: {  	s7 =	simm.s32 $0x8;
	[sflag:s4] =	ssyncadd.s32 $0xFFFFCE00  }
0x15: {  	_ =	swait.ge [sflag:s7], $0x3200  }
0x16: {  	s8 =	rddreg [dreg:$0x6]  }
0x17: {  	s25 =	rddreg [dreg:$0x5];
	s8 =	sadd.s32 $0x1, s8  }
0x18: {  	p0 =	sne.s32 s8, s25  }
.Ltmp1:
0x19: {  	_ = 	snop;
	(pc) =	sbr.rel @!p0 .LBB2_13-.Ltmp1, $3  }
0x1a: {  	_ =	sdelay $0x1  }
0x1b: {  	[sflag:s7] =	ssyncset.done $0x0  }
0x1c: {  	[sflag:s7] =	ssyncadd.s32 $0xFFFFCE00  }
.LBB2_1:
0x1d: {  	[dreg:$0x6] =	wrdreg s8  }
0x1e: {  	s4 =	rddreg [dreg:$0x4];
	s7 =	simm.s32 $0x9  }
0x1f: {  	[tilespmem:s3], [sflag:$0x9] =	stream.linear.gather [hbm4b:s4+s3], $0x6800, $0x38;
	[tilespmem:$0x14900] =	vst v63  }
0x20: {  	_ =	swait.ge [sflag:s7], $0x6800  }
0x21: {  	[sflag:s7] =	ssyncset.done $0x0  }
0x22: {  	s25 =	simm.s32 $0x6800;
	s23 =	rddreg [dreg:$0x3];
	[sflag:s7] =	ssyncadd.s32 $0xFFFF9800  }
0x23: {  	[tilespmem:s25], [sflag:$0x9] =	stream.linear.gather [hbm4b:s23+s3], $0x1900, $0x38;
	[tilespmem:$0x14900] =	vst v63  }
0x24: {  	_ =	swait.ge [sflag:s7], $0x1900  }
0x25: {  	[sflag:s7] =	ssyncset.done $0x0  }
0x26: {  	[sflag:s7] =	ssyncadd.s32 $0xFFFFE700  }
0x27: {  	[tilespmem:s12], [sflag:$0x1] =	stream.indirect.gather [hbm4b:s5+s11], $0x20, s3, s11, $0xb8;
	[tilespmem:$0x14900] =	vst v63  }
0x28: {  	s9 =	simm.s32 $0x68;
	s21 =	simm.s32 $0x8D80  }
0x29: {  	[tilespmem:s21], [sflag:$0x1] =	stream.indirect.gather [hbm4b:s5+s11], $0x20, s9, s11, $0xb8;
	[tilespmem:$0x14900] =	vst v63  }
0x2a: {  	s23 =	simm.s32 $0xD0;
	s25 =	simm.s32 $0x9A00  }
0x2b: {  	[tilespmem:s25], [sflag:$0x1] =	stream.indirect.gather [hbm4b:s5+s11], $0x20, s23, s11, $0xb8;
	[tilespmem:$0x14900] =	vst v63  }
0x2c: {  	s8 =	simm.s32 $0xA680;
	s7 =	simm.s32 $0x138  }
0x2d: {  	[tilespmem:s8], [sflag:$0x1] =	stream.indirect.gather [hbm4b:s5+s11], $0x20, s7, s11, $0xb8;
	[tilespmem:$0x14900] =	vst v63  }
0x2e: {  	s9 =	simm.s32 $0x1A0  }
0x2f: {  	[tilespmem:s20], [sflag:$0x2] =	stream.indirect.gather [hbm4b:s5+s11], $0x20, s9, s11, $0xb8;
	[tilespmem:$0x14900] =	vst v63  }
0x30: {  	s21 =	simm.s32 $0x208  }
0x31: {  	[tilespmem:s22], [sflag:$0x2] =	stream.indirect.gather [hbm4b:s5+s11], $0x20, s21, s11, $0xb8;
	[tilespmem:$0x14900] =	vst v63  }
0x32: {  	s23 =	simm.s32 $0x270  }
0x33: {  	[tilespmem:s24], [sflag:$0x2] =	stream.indirect.gather [hbm4b:s5+s11], $0x20, s23, s11, $0xb8;
	[tilespmem:$0x14900] =	vst v63  }
0x34: {  	s4 =	simm.s32 $0x0;
	s25 =	simm.s32 $0x2D8  }
0x35: {  	[tilespmem:s26], [sflag:$0x2] =	stream.indirect.gather [hbm4b:s5+s11], $0x20, s25, s11, $0xb8;
	[tilespmem:$0x14900] =	vst v63  }
.LBB2_2:
0x36: {  	_ =	swait.ge [sflag:s28], $0xC80  }
0x37: {  	[sflag:s28] =	ssyncset.done $0x0  }
0x38: {  	[sflag:s28] =	ssyncadd.s32 $0xFFFFF380  }
0x39: {  	_ =	swait.ge [sflag:s28], $0xC80  }
0x3a: {  	[sflag:s28] =	ssyncset.done $0x0  }
0x3b: {  	[sflag:s28] =	ssyncadd.s32 $0xFFFFF380  }
0x3c: {  	_ =	swait.ge [sflag:s28], $0xC80  }
0x3d: {  	[sflag:s28] =	ssyncset.done $0x0  }
0x3e: {  	[sflag:s28] =	ssyncadd.s32 $0xFFFFF380  }
0x3f: {  	_ =	swait.ge [sflag:s28], $0xC80  }
0x40: {  	[sflag:s28] =	ssyncset.done $0x0  }
0x41: {  	s7 =	simm.s32 $0x0;
	[sflag:s28] =	ssyncadd.s32 $0xFFFFF380  }
0x42: {  	v0 =	vld [tilespmem:s7+$0x6810]  }
0x43: {  	v1 =	vld [tilespmem:s7+$0x6800];
	_ =	sdelay $0x2  }
0x44: {  	s8 =	simm.s32 $0x80  }
.LBB2_3:
0x45: {  	s9 =	sshra.s32 s8, $0x2;
	p0 =	sne.s32 s8, $0x6380;
	s8 =	sadd.s32 $0x80, s8;
	[tilespmem:s7+$0x9A10] =	vst.add.f32.msk $0xffff, v0;
	v2 =	vmov v0  }
.Ltmp2:
0x46: {  	v0 =	vld [tilespmem:s9+$0x6810];
	v3 =	vmov v1;
	(pc) =	sbr.rel @p0 .LBB2_3-.Ltmp2, $4  }
0x47: {  	v1 =	vld [tilespmem:s9+$0x6800]  }
0x48: {  	[tilespmem:s7+$0x8100] =	vst.add.f32.msk $0xffff, v3  }
0x49: {  	[tilespmem:s7+$0x8110] =	vst.add.f32.msk $0xffff, v2  }
0x4a: {  	[tilespmem:s7+$0x9A00] =	vst.add.f32.msk $0xffff, v3;
	s7 =	smov.u32 s9  }
0x4b: {  	s21 =	sshll.u32 s4, $0x3;
	[tilespmem:s7+$0x9A10] =	vst.add.f32.msk $0xffff, v0  }
0x4c: {  	[tilespmem:s7+$0x8110] =	vst.add.f32.msk $0xffff, v0;
	s8 =	sadd.s32 s6, s21  }
0x4d: {  	[tilespmem:s7+$0x8100] =	vst.add.f32.msk $0xffff, v1;
	s8 =	smul.u32 $0x320, s8  }
0x4e: {  	p0 =	seq.s32 s4, $0x0;
	[tilespmem:s7+$0x9A00] =	vst.add.f32.msk $0xffff, v1;
	s7 =	sshll.u32 s4, $0x2  }
0x4f: {  	s9 =	simm.s32 @!p0 $0x7;
	s23 =	sadd.s32 s2, s8;
	s8 =	sor.u32 $0x2, s7  }
0x50: {  	[hbm4b:s23+s3] =	stream.linear.scatter [tilespmem:s12], [sflag:$0x5], $0x3200, $0x38;
	[tilespmem:$0x14900] =	vst v63  }
0x51: {  	s23 =	smul.u32 $0x680, s8;
	_ =	swait.ge @!p0 [sflag:s9], $0x3200  }
0x52: {  	[sflag:s9] =	ssyncset.done @!p0 $0x0  }
0x53: {  	[sflag:s9] =	ssyncadd.s32 @!p0 $0xFFFFCE00;
	s9 =	sshra.s32 s23, $0x2  }
0x54: {  	[tilespmem:s29], [sflag:$0x3] =	stream.indirect.gather [hbm4b:s5+s11], $0x20, s9, s11, $0xb8;
	[tilespmem:$0x14900] =	vst v63  }
0x55: {  	s23 =	sadd.s32 $0x68, s9  }
0x56: {  	[tilespmem:s30], [sflag:$0x3] =	stream.indirect.gather [hbm4b:s5+s11], $0x20, s23, s11, $0xb8;
	[tilespmem:$0x14900] =	vst v63  }
0x57: {  	s25 =	sadd.s32 $0xD0, s9  }
0x58: {  	[tilespmem:s31], [sflag:$0x3] =	stream.indirect.gather [hbm4b:s5+s11], $0x20, s25, s11, $0xb8;
	[tilespmem:$0x14900] =	vst v63  }
0x59: {  	s9 =	sadd.s32 $0x138, s9  }
0x5a: {  	[tilespmem:s1], [sflag:$0x3] =	stream.indirect.gather [hbm4b:s5+s11], $0x20, s9, s11, $0xb8;
	[tilespmem:$0x14900] =	vst v63  }
0x5b: {  	_ =	swait.ge [sflag:s0], $0xC80  }
0x5c: {  	[sflag:s0] =	ssyncset.done $0x0  }
0x5d: {  	[sflag:s0] =	ssyncadd.s32 $0xFFFFF380  }
0x5e: {  	_ =	swait.ge [sflag:s0], $0xC80  }
0x5f: {  	[sflag:s0] =	ssyncset.done $0x0  }
0x60: {  	[sflag:s0] =	ssyncadd.s32 $0xFFFFF380  }
0x61: {  	_ =	swait.ge [sflag:s0], $0xC80  }
0x62: {  	[sflag:s0] =	ssyncset.done $0x0  }
0x63: {  	[sflag:s0] =	ssyncadd.s32 $0xFFFFF380  }
0x64: {  	_ =	swait.ge [sflag:s0], $0xC80  }
0x65: {  	[sflag:s0] =	ssyncset.done $0x0  }
0x66: {  	s23 =	simm.s32 $0x0;
	[sflag:s0] =	ssyncadd.s32 $0xFFFFF380  }
0x67: {  	v0 =	vld [tilespmem:s23+$0x6810]  }
0x68: {  	v1 =	vld [tilespmem:s23+$0x6800];
	_ =	sdelay $0x2  }
0x69: {  	s9 =	simm.s32 $0x80  }
.LBB2_5:
0x6a: {  	s25 =	sshra.s32 s9, $0x2;
	p1 =	sne.s32 s9, $0x6380;
	s9 =	sadd.s32 $0x80, s9;
	[tilespmem:s23+$0xCC10] =	vst.add.f32.msk $0xffff, v0;
	v2 =	vmov v0  }
.Ltmp3:
0x6b: {  	v0 =	vld [tilespmem:s25+$0x6810];
	v3 =	vmov v1;
	(pc) =	sbr.rel @p1 .LBB2_5-.Ltmp3, $4  }
0x6c: {  	v1 =	vld [tilespmem:s25+$0x6800]  }
0x6d: {  	[tilespmem:s23+$0xB300] =	vst.add.f32.msk $0xffff, v3  }
0x6e: {  	[tilespmem:s23+$0xB310] =	vst.add.f32.msk $0xffff, v2  }
0x6f: {  	[tilespmem:s23+$0xCC00] =	vst.add.f32.msk $0xffff, v3;
	s23 =	smov.u32 s25  }
0x70: {  	s9 =	sadd.s32 s21, s6  }
0x71: {  	[tilespmem:s23+$0xCC10] =	vst.add.f32.msk $0xffff, v0;
	s9 =	smul.u32 $0x320, s9  }
0x72: {  	[tilespmem:s23+$0xB310] =	vst.add.f32.msk $0xffff, v0  }
0x73: {  	[tilespmem:s23+$0xB300] =	vst.add.f32.msk $0xffff, v1;
	s9 =	sadd.s32 s2, s9  }
0x74: {  	[tilespmem:s23+$0xCC00] =	vst.add.f32.msk $0xffff, v1;
	s9 =	sadd.s32 $0x640, s9  }
0x75: {  	[hbm4b:s9+s3] =	stream.linear.scatter [tilespmem:s20], [sflag:$0x6], $0x3200, $0x38;
	[tilespmem:$0x14900] =	vst v63  }
0x76: {  	s7 =	sor.u32 $0x3, s7;
	s9 =	simm.s32 @!p0 $0x8  }
0x77: {  	s25 =	smul.u32 $0x680, s7;
	_ =	swait.ge @!p0 [sflag:s9], $0x3200  }
0x78: {  	[sflag:s9] =	ssyncset.done @!p0 $0x0  }
0x79: {  	s23 =	sshra.s32 s25, $0x2;
	[sflag:s9] =	ssyncadd.s32 @!p0 $0xFFFFCE00  }
0x7a: {  	[tilespmem:s10], [sflag:$0x4] =	stream.indirect.gather [hbm4b:s5+s11], $0x20, s23, s11, $0xb8;
	[tilespmem:$0x14900] =	vst v63  }
0x7b: {  	s21 =	sadd.s32 $0x68, s23  }
0x7c: {  	[tilespmem:s13], [sflag:$0x4] =	stream.indirect.gather [hbm4b:s5+s11], $0x20, s21, s11, $0xb8;
	[tilespmem:$0x14900] =	vst v63  }
0x7d: {  	s25 =	sadd.s32 $0xD0, s23  }
0x7e: {  	[tilespmem:s14], [sflag:$0x4] =	stream.indirect.gather [hbm4b:s5+s11], $0x20, s25, s11, $0xb8;
	[tilespmem:$0x14900] =	vst v63  }
0x7f: {  	s9 =	sadd.s32 $0x138, s23  }
0x80: {  	[tilespmem:s15], [sflag:$0x4] =	stream.indirect.gather [hbm4b:s5+s11], $0x20, s9, s11, $0xb8;
	[tilespmem:$0x14900] =	vst v63  }
0x81: {  	_ =	swait.ge [sflag:s16], $0xC80  }
0x82: {  	[sflag:s16] =	ssyncset.done $0x0  }
0x83: {  	[sflag:s16] =	ssyncadd.s32 $0xFFFFF380  }
0x84: {  	_ =	swait.ge [sflag:s16], $0xC80  }
0x85: {  	[sflag:s16] =	ssyncset.done $0x0  }
0x86: {  	[sflag:s16] =	ssyncadd.s32 $0xFFFFF380  }
0x87: {  	_ =	swait.ge [sflag:s16], $0xC80  }
0x88: {  	[sflag:s16] =	ssyncset.done $0x0  }
0x89: {  	[sflag:s16] =	ssyncadd.s32 $0xFFFFF380  }
0x8a: {  	_ =	swait.ge [sflag:s16], $0xC80  }
0x8b: {  	[sflag:s16] =	ssyncset.done $0x0  }
0x8c: {  	s21 =	simm.s32 $0x0;
	[sflag:s16] =	ssyncadd.s32 $0xFFFFF380  }
0x8d: {  	v0 =	vld [tilespmem:s21+$0x6810]  }
0x8e: {  	v1 =	vld [tilespmem:s21+$0x6800];
	_ =	sdelay $0x2  }
0x8f: {  	s9 =	simm.s32 $0x80  }
.LBB2_7:
0x90: {  	s23 =	sshra.s32 s9, $0x2;
	p0 =	sne.s32 s9, $0x6380;
	s9 =	sadd.s32 $0x80, s9;
	[tilespmem:s21+$0xFE10] =	vst.add.f32.msk $0xffff, v0;
	v2 =	vmov v0  }
.Ltmp4:
0x91: {  	v0 =	vld [tilespmem:s23+$0x6810];
	v3 =	vmov v1;
	(pc) =	sbr.rel @p0 .LBB2_7-.Ltmp4, $4  }
0x92: {  	v1 =	vld [tilespmem:s23+$0x6800]  }
0x93: {  	[tilespmem:s21+$0xE500] =	vst.add.f32.msk $0xffff, v3  }
0x94: {  	[tilespmem:s21+$0xE510] =	vst.add.f32.msk $0xffff, v2  }
0x95: {  	[tilespmem:s21+$0xFE00] =	vst.add.f32.msk $0xffff, v3;
	s21 =	smov.u32 s23  }
0x96: {  	s8 =	sshll.u32 s8, $0x1  }
0x97: {  	[tilespmem:s21+$0xFE10] =	vst.add.f32.msk $0xffff, v0;
	s8 =	sadd.s32 s6, s8  }
0x98: {  	[tilespmem:s21+$0xE510] =	vst.add.f32.msk $0xffff, v0;
	s8 =	smul.u32 $0x320, s8  }
0x99: {  	[tilespmem:s21+$0xE500] =	vst.add.f32.msk $0xffff, v1  }
0x9a: {  	p0 =	seq.s32 s4, $0xF;
	[tilespmem:s21+$0xFE00] =	vst.add.f32.msk $0xffff, v1;
	s8 =	sadd.s32 s2, s8  }
0x9b: {  	[hbm4b:s8+s3] =	stream.linear.scatter [tilespmem:s29], [sflag:$0x7], $0x3200, $0x38;
	[tilespmem:$0x14900] =	vst v63  }
0x9c: {  	s8 =	smul.u32 @!p0 $0x1A00, s4  }
0x9d: {  	_ =	swait.ge [sflag:s17], $0x3200  }
0x9e: {  	s21 =	simm.s32 @!p0 $0x64;
	[sflag:s17] =	ssyncset.done $0x0;
	s8 =	sshra.s32 @!p0 s8, $0x2  }
0x9f: {  	s23 =	simm.s32 @!p0 $0x8100;
	[sflag:s17] =	ssyncadd.s32 $0xFFFFCE00;
	s9 =	sadd.s32 @!p0 $0x680, s8  }
0xa0: {  	[tilespmem:s23], [sflag:$0x1] =	stream.indirect.gather @!p0 [hbm4b:s5+s21], $0x20, s9, s21, $0xb8;
	[tilespmem:$0x14900] =	vst v63  }
0xa1: {  	s9 =	sadd.s32 @!p0 $0x6E8, s8;
	s23 =	simm.s32 @!p0 $0x8D80  }
0xa2: {  	[tilespmem:s23], [sflag:$0x1] =	stream.indirect.gather @!p0 [hbm4b:s5+s21], $0x20, s9, s21, $0xb8;
	[tilespmem:$0x14900] =	vst v63  }
0xa3: {  	s9 =	sadd.s32 @!p0 $0x750, s8;
	s23 =	simm.s32 @!p0 $0x9A00  }
0xa4: {  	[tilespmem:s23], [sflag:$0x1] =	stream.indirect.gather @!p0 [hbm4b:s5+s21], $0x20, s9, s21, $0xb8;
	[tilespmem:$0x14900] =	vst v63  }
0xa5: {  	s8 =	sadd.s32 @!p0 $0x7B8, s8;
	s9 =	simm.s32 @!p0 $0xA680  }
0xa6: {  	[tilespmem:s9], [sflag:$0x1] =	stream.indirect.gather @!p0 [hbm4b:s5+s21], $0x20, s8, s21, $0xb8;
	[tilespmem:$0x14900] =	vst v63  }
0xa7: {  	_ =	swait.ge [sflag:s18], $0xC80  }
0xa8: {  	[sflag:s18] =	ssyncset.done $0x0  }
0xa9: {  	[sflag:s18] =	ssyncadd.s32 $0xFFFFF380  }
0xaa: {  	_ =	swait.ge [sflag:s18], $0xC80  }
0xab: {  	[sflag:s18] =	ssyncset.done $0x0  }
0xac: {  	[sflag:s18] =	ssyncadd.s32 $0xFFFFF380  }
0xad: {  	_ =	swait.ge [sflag:s18], $0xC80  }
0xae: {  	[sflag:s18] =	ssyncset.done $0x0  }
0xaf: {  	[sflag:s18] =	ssyncadd.s32 $0xFFFFF380  }
0xb0: {  	_ =	swait.ge [sflag:s18], $0xC80  }
0xb1: {  	[sflag:s18] =	ssyncset.done $0x0  }
0xb2: {  	s8 =	simm.s32 $0x0;
	[sflag:s18] =	ssyncadd.s32 $0xFFFFF380  }
0xb3: {  	v0 =	vld [tilespmem:s8+$0x6810]  }
0xb4: {  	v1 =	vld [tilespmem:s8+$0x6800];
	_ =	sdelay $0x2  }
0xb5: {  	s9 =	simm.s32 $0x80  }
.LBB2_9:
0xb6: {  	s21 =	sshra.s32 s9, $0x2;
	p1 =	sne.s32 s9, $0x6380;
	s9 =	sadd.s32 $0x80, s9;
	[tilespmem:s8+$0x13010] =	vst.add.f32.msk $0xffff, v0;
	v2 =	vmov v0  }
.Ltmp5:
0xb7: {  	v0 =	vld [tilespmem:s21+$0x6810];
	v3 =	vmov v1;
	(pc) =	sbr.rel @p1 .LBB2_9-.Ltmp5, $4  }
0xb8: {  	v1 =	vld [tilespmem:s21+$0x6800]  }
0xb9: {  	[tilespmem:s8+$0x11700] =	vst.add.f32.msk $0xffff, v3  }
0xba: {  	[tilespmem:s8+$0x11710] =	vst.add.f32.msk $0xffff, v2  }
0xbb: {  	[tilespmem:s8+$0x13000] =	vst.add.f32.msk $0xffff, v3;
	s8 =	smov.u32 s21  }
0xbc: {  	s7 =	sshll.u32 s7, $0x1  }
0xbd: {  	[tilespmem:s8+$0x13010] =	vst.add.f32.msk $0xffff, v0;
	s7 =	sadd.s32 s6, s7  }
0xbe: {  	[tilespmem:s8+$0x11710] =	vst.add.f32.msk $0xffff, v0;
	s7 =	smul.u32 $0x320, s7  }
0xbf: {  	[tilespmem:s8+$0x11700] =	vst.add.f32.msk $0xffff, v1  }
.Ltmp6:
0xc0: {  	[tilespmem:s8+$0x13000] =	vst.add.f32.msk $0xffff, v1;
	s7 =	sadd.s32 s2, s7;
	(pc) =	sbr.rel @p0 .LBB2_12-.Ltmp6, $4  }
0xc1: {  	[hbm4b:s7+s3] =	stream.linear.scatter [tilespmem:s10], [sflag:$0x8], $0x3200, $0x38;
	[tilespmem:$0x14900] =	vst v63  }
0xc2: {  	_ =	swait.ge [sflag:s19], $0x3200  }
0xc3: {  	[sflag:s19] =	ssyncset.done $0x0  }
0xc4: {  	[sflag:s19] =	ssyncadd.s32 $0xFFFFCE00  }
0xc5: {  	s7 =	smul.u32 $0x1A00, s4;
	_ =	sdelay $0x1  }
0xc6: {  	s7 =	sshra.s32 s7, $0x2  }
0xc7: {  	s8 =	sadd.s32 $0x820, s7  }
0xc8: {  	[tilespmem:s20], [sflag:$0x2] =	stream.indirect.gather [hbm4b:s5+s11], $0x20, s8, s11, $0xb8;
	[tilespmem:$0x14900] =	vst v63  }
0xc9: {  	s23 =	sadd.s32 $0x888, s7  }
0xca: {  	[tilespmem:s22], [sflag:$0x2] =	stream.indirect.gather [hbm4b:s5+s11], $0x20, s23, s11, $0xb8;
	[tilespmem:$0x14900] =	vst v63  }
.Ltmp7:
0xcb: {  	_ = 	snop;
	(pc) =	sbr.rel .LBB2_2-.Ltmp7, $4  }
0xcc: {  	s25 =	sadd.s32 $0x8F0, s7  }
0xcd: {  	[tilespmem:s24], [sflag:$0x2] =	stream.indirect.gather [hbm4b:s5+s11], $0x20, s25, s11, $0xb8;
	[tilespmem:$0x14900] =	vst v63  }
0xce: {  	s4 =	sadd.s32 $0x1, s4;
	s7 =	sadd.s32 $0x958, s7  }
0xcf: {  	[tilespmem:s26], [sflag:$0x2] =	stream.indirect.gather [hbm4b:s5+s11], $0x20, s7, s11, $0xb8;
	[tilespmem:$0x14900] =	vst v63  }
.LBB2_13:
0xd0: {  	_ =	sfence.sel $0x180000  }
0xd1: {  	[bflag:$0x0] =	sbarrier.arrive $0xFFFF  }
0xd2: {  	_ =	strace $0x90000047  }
0xd3: {  	s0 =	stileid.u32;
	[bflag:$0x2] =	sbarrier.arrive $0xFFFF  }
0xd4: {  	p0 =	sne.s32 s0, $0x0;
	s0 =	rddreg [dreg:$0x2]  }
0xd5: {  	s0 =	sadd.s32 @!p0 $0x100000, s0  }
0xd6: {  	[sflag:s0] =	ssyncadd.tile.s32 @!p0 $0x1;
	_ =	shalt  }
.Lfunc_end2:
_tile_overlayer_lowered:
.L_overlay_start_2:
0xd7: {  	(tag) =	ssettag $0x2  }
0xd8: {  	s0 =	rddreg [dreg:$0x0];
	s2 =	stileid.u32  }
0xd9: {  	s1 =	rddreg [dreg:$0x1];
	p0 =	sne.s32 s2, $0x0  }
0xda: {  	s3 =	rddreg [dreg:$0x2];
	[bflag:$0x3] =	sbarrier.arrive $0xFFFF;
	s2 =	simm.s32 @!p0 $0x1C09  }
0xdb: {  	[timem:s3], [sflag:s2] =	dma.local @!p0 [hbm:s0], s1  }
0xdc: {  	s0 =	simm.s32 @!p0 $0x9  }
0xdd: {  	_ =	swait.ge @!p0 [sflag:s0], s1  }
0xde: {  	s1 =	ssub.s32 @!p0 $0x0, s1;
	[sflag:s0] =	ssyncset.done @!p0 $0x0  }
0xdf: {  	[sflag:s0] =	ssyncadd.s32 @!p0 s1  }
0xe0: {  	[bflag:$0x3] =	sbarrier.arrive $0xFFFF  }
0xe1: {  	_ =	shalt  }

</sc_bundles>
